<compile_context>
chip_gen: v7x
topology: tpu7x:2x2x1
jax: 0.10.2.dev20260603
libtpu: 0.0.44.dev20260713+nightly
codegen_flags: <defaults>
</compile_context>

<pallas_src>
import functools

import jax
import jax.numpy as jnp
import numpy as np
from jax import lax
from jax.experimental import pallas as pl
from jax.experimental.pallas import tpu as pltpu
from jax.experimental.pallas import tpu_sc as plsc

B = 16
D = 1024
VOCAB = 100000
NEG = -1e9
BN = 2048
NBLK = (VOCAB + BN - 1) // BN
VPAD = NBLK * BN
NCH = VPAD // 16
NHIST = 8192
HCH = NHIST // 16
BIGI = np.int32(2147483647)

_KEY_LO = np.int32(np.int64(-2147483648)
                   - np.int64(np.float32(-3.0e38).view(np.int32))
                   - 1)


def _key16(v):
    b = lax.bitcast_convert_type(v, jnp.int32)
    return jnp.where(b >= 0, b, jnp.int32(-2147483648) - b - 1)


def _unkey16(k):
    b = jnp.where(k >= 0, k, jnp.int32(-2147483648) - k - 1)
    return lax.bitcast_convert_type(b, jnp.float32)



def _matmul_kernel(hidden_ref, emb_ref, temp_ref, logits_ref,
                   m_ref, z_ref, arg_ref, m_s, z_s, arg_s):
    j = pl.program_id(0)

    @pl.when(j == 0)
    def _init():
        m_s[...] = jnp.full_like(m_s, -jnp.inf)
        z_s[...] = jnp.zeros_like(z_s)
        arg_s[...] = jnp.zeros_like(arg_s)

    logits = jax.lax.dot_general(
        hidden_ref[...], emb_ref[...], (((1,), (1,)), ((), ())),
        preferred_element_type=jnp.float32)
    logits = logits / temp_ref[...]

    col = j * BN + jax.lax.broadcasted_iota(jnp.int32, (B, BN), 1)
    lw = jnp.where(col < VOCAB, logits, -jnp.inf)
    logits_ref[...] = lw

    bm = jnp.max(lw, axis=1, keepdims=True)
    barg = jnp.min(jnp.where(lw == bm, col, BIGI), axis=1, keepdims=True)

    m_old = m_s[...]
    m_new = jnp.maximum(m_old, bm)
    z_s[...] = (z_s[...] * jnp.exp(m_old - m_new)
                + jnp.sum(jnp.exp(lw - m_new), axis=1, keepdims=True))
    arg_s[...] = jnp.where(bm > m_old, barg, arg_s[...])
    m_s[...] = m_new

    @pl.when(j == NBLK - 1)
    def _fin():
        m_ref[...] = m_s[...]
        z_ref[...] = z_s[...]
        arg_ref[...] = arg_s[...]



def _sc_select_body(vflat, m_hbm, z_hbm, tp_hbm, tk_hbm, out_hbm,
                    buf, hcnt, hmass, m16, z16, tp16, tk16, io16):
    cid = lax.axis_index("c")
    sid = lax.axis_index("s")
    h = sid % 2
    row = 8 * cid + sid // 2

    @pl.when(h == 0)
    def _work():
        iota = lax.iota(jnp.int32, 16)
        zf16 = jnp.zeros((16,), jnp.float32)

        pltpu.sync_copy(vflat.at[pl.ds(row * VPAD, VPAD)], buf)
        pltpu.sync_copy(m_hbm, m16)
        pltpu.sync_copy(z_hbm, z16)
        pltpu.sync_copy(tp_hbm, tp16)
        pltpu.sync_copy(tk_hbm, tk16)

        ridx = jnp.full((16,), row, jnp.int32)
        m_b = plsc.load_gather(m16, [ridx])
        budget_b = plsc.load_gather(tp16, [ridx]) * plsc.load_gather(z16, [ridx])
        topk_b = plsc.load_gather(tk16, [ridx])

        def clr(i, _):
            hcnt[pl.ds(i * 16, 16)] = zf16
            hmass[pl.ds(i * 16, 16)] = zf16
            return 0
        lax.fori_loop(0, HCH, clr, 0)

        ones = jnp.ones((16,), jnp.float32)

        def hist(i, _):
            v = buf[pl.ds(i * 16, 16)]
            idx = 4095 - (_key16(v) >> 19)
            e = jnp.exp(v - m_b)
            plsc.addupdate_scatter(hcnt, [idx], ones)
            plsc.addupdate_scatter(hmass, [idx], e)
            return 0
        lax.fori_loop(0, NCH, hist, 0)

        def scan(i, carry):
            cc, cm, fb = carry
            c = hcnt[pl.ds(i * 16, 16)]
            mm = hmass[pl.ds(i * 16, 16)]
            ic = plsc.cumsum(c)
            im = plsc.cumsum(mm)
            a_c = cc + (ic - c)
            a_m = cm + (im - mm)
            bad = jnp.logical_not((a_m <= budget_b) & (a_c < topk_b))
            idx16 = i * 16 + iota
            cand = jnp.where(bad, idx16, BIGI)
            fb = jnp.minimum(fb, zf16.astype(jnp.int32)
                             + lax.reduce_min(cand, axes=(0,)))
            cc = cc + lax.reduce_max(ic, axes=(0,))
            cm = cm + lax.reduce_max(im, axes=(0,))
            return cc, cm, fb

        _, _, fbv = lax.fori_loop(
            0, HCH, scan,
            (zf16, zf16, jnp.full((16,), BIGI, jnp.int32)))
        bc_v = fbv - 1

        def base(i, carry):
            ac, am = carry
            c = hcnt[pl.ds(i * 16, 16)]
            mm = hmass[pl.ds(i * 16, 16)]
            idx16 = i * 16 + iota
            sel = idx16 < bc_v
            return ac + jnp.where(sel, c, 0.0), am + jnp.where(sel, mm, 0.0)
        acv, amv = lax.fori_loop(0, HCH, base, (zf16, zf16))
        base_c = zf16 + lax.reduce_sum(acv, axes=(0,))
        base_m = zf16 + lax.reduce_sum(amv, axes=(0,))

        def cpk(i, w):
            v = buf[pl.ds(i * 16, 16)]
            idx = 4095 - (_key16(v) >> 19)
            mk = idx == bc_v
            plsc.store_compressed(buf.at[pl.ds(w, 16)], v, mask=mk)
            nm = lax.reduce_sum(jnp.where(mk, 1.0, 0.0), axes=(0,))
            return w + nm.astype(jnp.int32)
        nloc = lax.fori_loop(0, NCH, cpk, jnp.int32(0))
        nch_c = (nloc + 15) // 16
        nloc_v = zf16.astype(jnp.int32) + nloc

        kbase = (4095 - bc_v) << 19
        lo0 = kbase - 1
        hi0 = kbase + jnp.int32(1 << 19) - 1

        def bis(_, carry):
            lo, hi = carry
            mid = lo + ((hi - lo) >> 1)
            def acc(i, c2):
                pc, pm = c2
                v = buf[pl.ds(i * 16, 16)]
                ok = ((i * 16 + iota) < nloc_v) & (_key16(v) > mid)
                pc = pc + jnp.where(ok, 1.0, 0.0)
                pm = pm + jnp.where(ok, jnp.exp(v - m_b), 0.0)
                return pc, pm
            pc, pm = lax.fori_loop(0, nch_c, acc, (zf16, zf16))
            cnt = base_c + lax.reduce_sum(pc, axes=(0,))
            mass = base_m + lax.reduce_sum(pm, axes=(0,))
            good = (mass <= budget_b) & (cnt < topk_b)
            lo = jnp.where(good, lo, mid)
            hi = jnp.where(good, mid, hi)
            return lo, hi

        lo, _ = lax.fori_loop(0, 19, bis, (lo0, hi0))
        io16[...] = _unkey16(lo)
        pltpu.sync_copy(io16, out_hbm.at[pl.ds(row * 16, 16)])


def _sc_select(vflat, m, z, tp, tkf):
    mesh = plsc.VectorSubcoreMesh(core_axis_name="c", subcore_axis_name="s",
                                  num_cores=2, num_subcores=16)
    kern = functools.partial(
        pl.kernel,
        out_type=jax.ShapeDtypeStruct((B * 16,), jnp.float32),
        mesh=mesh,
        compiler_params=pltpu.CompilerParams(needs_layout_passes=False),
        scratch_types=[
            pltpu.VMEM((VPAD,), jnp.float32),
            pltpu.VMEM((NHIST,), jnp.float32),
            pltpu.VMEM((NHIST,), jnp.float32),
            pltpu.VMEM((16,), jnp.float32),
            pltpu.VMEM((16,), jnp.float32),
            pltpu.VMEM((16,), jnp.float32),
            pltpu.VMEM((16,), jnp.float32),
            pltpu.VMEM((16,), jnp.float32),
        ],
    )(_sc_select_body)
    return kern(vflat, m, z, tp, tkf)



def _emit_kernel(v_ref, m_ref, t_ref, probs_ref, logp_ref):
    m = m_ref[...]
    t_lo = t_ref[...]
    v = v_ref[:, :VOCAB]
    keep = v > t_lo
    e = jnp.exp(v - m)
    ek = jnp.where(keep, e, 0.0)
    zk = jnp.sum(ek, axis=1, keepdims=True)
    probs_ref[...] = ek * (1.0 / zk)
    logp_ref[...] = (jnp.where(keep, v, NEG) - m) - jnp.log(zk)


@jax.jit
def kernel(hidden_states, embedding, temperatures, top_ps, top_ks):
    temp = temperatures.reshape(B, 1)
    tp = top_ps.reshape(B, 1)
    tk = top_ks.astype(jnp.float32).reshape(B, 1)

    logits, m, z, arg = pl.pallas_call(
        _matmul_kernel,
        grid=(NBLK,),
        in_specs=[
            pl.BlockSpec((B, D), lambda j: (0, 0)),
            pl.BlockSpec((BN, D), lambda j: (j, 0)),
            pl.BlockSpec((B, 1), lambda j: (0, 0)),
        ],
        out_specs=[
            pl.BlockSpec((B, BN), lambda j: (0, j)),
            pl.BlockSpec((B, 1), lambda j: (0, 0)),
            pl.BlockSpec((B, 1), lambda j: (0, 0)),
            pl.BlockSpec((B, 1), lambda j: (0, 0)),
        ],
        out_shape=[
            jax.ShapeDtypeStruct((B, VPAD), jnp.float32),
            jax.ShapeDtypeStruct((B, 1), jnp.float32),
            jax.ShapeDtypeStruct((B, 1), jnp.float32),
            jax.ShapeDtypeStruct((B, 1), jnp.int32),
        ],
        scratch_shapes=[
            pltpu.VMEM((B, 1), jnp.float32),
            pltpu.VMEM((B, 1), jnp.float32),
            pltpu.VMEM((B, 1), jnp.int32),
        ],
    )(hidden_states, embedding, temp)

    vflat = logits.reshape(-1)
    tvec = _sc_select(vflat, m.reshape(-1), z.reshape(-1),
                      top_ps, top_ks.astype(jnp.float32))
    t_lo = tvec.reshape(B, 16)[:, :1]

    probs, logp = pl.pallas_call(
        _emit_kernel,
        out_shape=[
            jax.ShapeDtypeStruct((B, VOCAB), jnp.float32),
            jax.ShapeDtypeStruct((B, VOCAB), jnp.float32),
        ],
        compiler_params=pltpu.CompilerParams(
            vmem_limit_bytes=100 * 1024 * 1024),
    )(logits, m, t_lo)

    return arg[:, 0], probs, logp

# --- scband reference (transcript-rebuilt; emitter-appended) ---
"""Pipeline reference for scband-sampler-70308614636114 (READ-ONLY COPY).

The authoritative reference and input builder live on the scoring server;
editing this copy changes nothing except your own understanding.
"""

import jax, jax.numpy as jnp
import numpy as np

B = 16
D = 1024
VOCAB = 100000
NEG = -1e9

def setup_inputs(seed: int = 0) -> dict:
    key = jax.random.key(seed)
    k1, k2, k3, k4, k5 = jax.random.split(key, 5)
    hidden_states = jax.random.normal(k1, (B, D), dtype=jnp.float32)
    embedding = jax.random.normal(k2, (VOCAB, D), dtype=jnp.float32) * 0.02
    temperatures = jax.random.uniform(k3, (B,), dtype=jnp.float32, minval=0.5, maxval=1.5)
    top_ps = jax.random.uniform(k4, (B,), dtype=jnp.float32, minval=0.8, maxval=1.0)
    top_ks = jax.random.randint(k5, (B,), 1, 1000).astype(jnp.int32)
    return {
        'hidden_states': hidden_states,
        'embedding': embedding,
        'temperatures': temperatures,
        'top_ps': top_ps,
        'top_ks': top_ks,
    }


def _apply_top_p_top_k(logits, top_ps, top_ks):
    # sort descending
    logits_idx = jnp.argsort(-logits, axis=-1)
    logits_sort = jnp.take_along_axis(logits, logits_idx, axis=-1)
    probs_sort = jax.nn.softmax(logits_sort, axis=-1)
    probs_sum = jnp.cumsum(probs_sort, axis=-1)
    top_p_mask = (probs_sum - probs_sort) > top_ps[:, None]
    vocab = logits.shape[-1]
    top_k_mask = jnp.arange(vocab, dtype=jnp.int32)[None, :] >= top_ks[:, None]
    mask = top_p_mask | top_k_mask
    logits_sort = jnp.where(mask, NEG, logits_sort)
    # scatter back to original vocab order
    inv_idx = jnp.argsort(logits_idx, axis=-1)
    return jnp.take_along_axis(logits_sort, inv_idx, axis=-1)


def reference(hidden_states, embedding, temperatures, top_ps, top_ks):
    # decode-only batch: _prune_hidden_states is identity (one token per seq)
    logits = jnp.matmul(hidden_states, embedding.T)  # [B, VOCAB]
    logits = logits[:, :VOCAB]
    logits = logits / temperatures[:, None]
    logits = _apply_top_p_top_k(logits, top_ps, top_ks)
    probs = jax.nn.softmax(logits.astype(jnp.float32), axis=-1)
    logprobs = jax.nn.log_softmax(logits.astype(jnp.float32), axis=-1)
    # greedy sampling branch (deterministic, reproducible)
    next_tokens = jnp.argmax(logprobs, axis=-1)
    return next_tokens, probs, logprobs

if __name__ == "__main__":
    import jax
    _d = setup_inputs()
    print(jax.jit(kernel)(*tuple(_d.values())))

</pallas_src>

<mosaic_0001>
#map = affine_map<(d0, d1) -> (0)>
module attributes {stable_mosaic.version = 14 : i64} {
  func.func @_sc_select_body(%arg0: i32, %arg1: i32, %arg2: memref<1605632xf32, #tpu.memory_space<hbm>>, %arg3: memref<16xf32, #tpu.memory_space<hbm>>, %arg4: memref<16xf32, #tpu.memory_space<hbm>>, %arg5: memref<16xf32, #tpu.memory_space<hbm>>, %arg6: memref<16xf32, #tpu.memory_space<hbm>>, %arg7: memref<256xf32, #tpu.memory_space<hbm>>, %arg8: memref<100352xf32, #tpu.memory_space<vmem>>, %arg9: memref<8192xf32, #tpu.memory_space<vmem>>, %arg10: memref<8192xf32, #tpu.memory_space<vmem>>, %arg11: memref<16xf32, #tpu.memory_space<vmem>>, %arg12: memref<16xf32, #tpu.memory_space<vmem>>, %arg13: memref<16xf32, #tpu.memory_space<vmem>>, %arg14: memref<16xf32, #tpu.memory_space<vmem>>, %arg15: memref<16xf32, #tpu.memory_space<vmem>>) attributes {dimension_semantics = [#tpu.dimension_semantics<core_parallel>, #tpu.dimension_semantics<subcore_parallel>], iteration_bounds = array<i64: 2, 16>, scalar_prefetch = 0 : i64, scratch_operands = 8 : i64, tpu.core_type = #tpu.core_type<sc_vector_subcore>, window_params = [{transform_indices = #map}, {transform_indices = #map}, {transform_indices = #map}, {transform_indices = #map}, {transform_indices = #map}, {transform_indices = #map}]} {
    %jit3A = arith.constant 2 : i32
    %eq3A = arith.constant 0 : i32
    %eq3A_0 = arith.cmpi eq, %jit3A, %eq3A : i32
    %jit3A_1 = arith.constant 1 : i32
    %select_n3A = arith.select %eq3A_0, %jit3A_1, %jit3A : i32
    %rem3A = arith.remsi %arg1, %select_n3A : i32
    %ne3A = arith.constant 0 : i32
    %ne3A_2 = arith.cmpi ne, %rem3A, %ne3A : i32
    %lt3A = arith.constant 0 : i32
    %lt3A_3 = arith.cmpi slt, %rem3A, %lt3A : i32
    %lt3A_4 = arith.constant 0 : i32
    %lt3A_5 = arith.cmpi slt, %select_n3A, %lt3A_4 : i32
    %ne3A_6 = arith.xori %lt3A_3, %lt3A_5 : i1
    %and3A = arith.andi %ne3A_6, %ne3A_2 : i1
    %add3A = arith.addi %rem3A, %select_n3A : i32
    %select_n3A_7 = arith.select %and3A, %add3A, %rem3A : i32
    %mul3A = arith.constant 8 : i32
    %mul3A_8 = arith.muli %mul3A, %arg0 : i32
    %jit3A_9 = arith.constant 2 : i32
    %div3A = arith.divsi %arg1, %jit3A_9 : i32
    %sign3A = arith.constant 0 : i32
    %sign3A_10 = arith.cmpi sgt, %arg1, %sign3A : i32
    %sign3A_11 = arith.extui %sign3A_10 : i1 to i32
    %sign3A_12 = arith.constant 0 : i32
    %sign3A_13 = arith.cmpi slt, %arg1, %sign3A_12 : i32
    %sign3A_14 = arith.extui %sign3A_13 : i1 to i32
    %sign3A_15 = arith.subi %sign3A_11, %sign3A_14 : i32
    %sign3A_16 = arith.constant 0 : i32
    %sign3A_17 = arith.cmpi sgt, %jit3A_9, %sign3A_16 : i32
    %sign3A_18 = arith.extui %sign3A_17 : i1 to i32
    %sign3A_19 = arith.constant 0 : i32
    %sign3A_20 = arith.cmpi slt, %jit3A_9, %sign3A_19 : i32
    %sign3A_21 = arith.extui %sign3A_20 : i1 to i32
    %sign3A_22 = arith.subi %sign3A_18, %sign3A_21 : i32
    %ne3A_23 = arith.cmpi ne, %sign3A_15, %sign3A_22 : i32
    %rem3A_24 = arith.remsi %arg1, %jit3A_9 : i32
    %ne3A_25 = arith.constant 0 : i32
    %ne3A_26 = arith.cmpi ne, %rem3A_24, %ne3A_25 : i32
    %and3A_27 = arith.andi %ne3A_23, %ne3A_26 : i1
    %sub3A = arith.constant 1 : i32
    %sub3A_28 = arith.subi %div3A, %sub3A : i32
    %select_n3A_29 = arith.select %and3A_27, %sub3A_28, %div3A : i32
    %add3A_30 = arith.addi %mul3A_8, %select_n3A_29 : i32
    %eq3A_31 = arith.constant 0 : i32
    %eq3A_32 = arith.cmpi eq, %select_n3A_7, %eq3A_31 : i32
    %convert_element_type3A = arith.extui %eq3A_32 : i1 to i32
    %cond3A = arith.constant 0 : i32
    %cond3A_33 = arith.cmpi ne, %convert_element_type3A, %cond3A : i32
    scf.if %cond3A_33 {
      %iota3A = tpu.iota {dimensions = array<i32: 0>} : vector<16xi32>
      %broadcast_in_dim3A = arith.constant 0.000000e+00 : f32
      %broadcast_in_dim3A_34 = vector.broadcast %broadcast_in_dim3A : f32 to vector<16xf32>
      %mul3A_35 = arith.constant 100352 : i32
      %mul3A_36 = arith.muli %add3A_30, %mul3A_35 : i32
      "tpu.region"() ({
        %run_scoped3A = tpu.sem_alloc : memref<!tpu.dma_semaphore, #tpu.memory_space<semaphore_mem>>
        %dma_start3A = tpu.memref_slice %arg2[%mul3A_36] : memref<1605632xf32, #tpu.memory_space<hbm>> -> memref<100352xf32, #tpu.memory_space<hbm>>
        %dma_start3A_153 = tpu.memref_slice %arg2[%mul3A_36] : memref<1605632xf32, #tpu.memory_space<hbm>> -> memref<100352xf32, #tpu.memory_space<hbm>>
        tpu.enqueue_dma source(%dma_start3A_153 : memref<100352xf32, #tpu.memory_space<hbm>>) target(%arg8 : memref<100352xf32, #tpu.memory_space<vmem>>) target_semaphore(%run_scoped3A : memref<!tpu.dma_semaphore, #tpu.memory_space<semaphore_mem>>)
        %dma_wait3A = tpu.memref_slice %arg2[%mul3A_36] : memref<1605632xf32, #tpu.memory_space<hbm>> -> memref<100352xf32, #tpu.memory_space<hbm>>
        %dma_wait3A_154 = tpu.memref_slice %arg2[%mul3A_36] : memref<1605632xf32, #tpu.memory_space<hbm>> -> memref<100352xf32, #tpu.memory_space<hbm>>
        tpu.wait_dma2 semaphore(%run_scoped3A : memref<!tpu.dma_semaphore, #tpu.memory_space<semaphore_mem>>) src(%dma_wait3A_154 : memref<100352xf32, #tpu.memory_space<hbm>>) dst(%arg8 : memref<100352xf32, #tpu.memory_space<vmem>>)
        tpu.yield
      }) : () -> ()
      "tpu.region"() ({
        %run_scoped3A = tpu.sem_alloc : memref<!tpu.dma_semaphore, #tpu.memory_space<semaphore_mem>>
        tpu.enqueue_dma source(%arg3 : memref<16xf32, #tpu.memory_space<hbm>>) target(%arg11 : memref<16xf32, #tpu.memory_space<vmem>>) target_semaphore(%run_scoped3A : memref<!tpu.dma_semaphore, #tpu.memory_space<semaphore_mem>>)
        tpu.wait_dma2 semaphore(%run_scoped3A : memref<!tpu.dma_semaphore, #tpu.memory_space<semaphore_mem>>) src(%arg3 : memref<16xf32, #tpu.memory_space<hbm>>) dst(%arg11 : memref<16xf32, #tpu.memory_space<vmem>>)
        tpu.yield
      }) : () -> ()
      "tpu.region"() ({
        %run_scoped3A = tpu.sem_alloc : memref<!tpu.dma_semaphore, #tpu.memory_space<semaphore_mem>>
        tpu.enqueue_dma source(%arg4 : memref<16xf32, #tpu.memory_space<hbm>>) target(%arg12 : memref<16xf32, #tpu.memory_space<vmem>>) target_semaphore(%run_scoped3A : memref<!tpu.dma_semaphore, #tpu.memory_space<semaphore_mem>>)
        tpu.wait_dma2 semaphore(%run_scoped3A : memref<!tpu.dma_semaphore, #tpu.memory_space<semaphore_mem>>) src(%arg4 : memref<16xf32, #tpu.memory_space<hbm>>) dst(%arg12 : memref<16xf32, #tpu.memory_space<vmem>>)
        tpu.yield
      }) : () -> ()
      "tpu.region"() ({
        %run_scoped3A = tpu.sem_alloc : memref<!tpu.dma_semaphore, #tpu.memory_space<semaphore_mem>>
        tpu.enqueue_dma source(%arg5 : memref<16xf32, #tpu.memory_space<hbm>>) target(%arg13 : memref<16xf32, #tpu.memory_space<vmem>>) target_semaphore(%run_scoped3A : memref<!tpu.dma_semaphore, #tpu.memory_space<semaphore_mem>>)
        tpu.wait_dma2 semaphore(%run_scoped3A : memref<!tpu.dma_semaphore, #tpu.memory_space<semaphore_mem>>) src(%arg5 : memref<16xf32, #tpu.memory_space<hbm>>) dst(%arg13 : memref<16xf32, #tpu.memory_space<vmem>>)
        tpu.yield
      }) : () -> ()
      "tpu.region"() ({
        %run_scoped3A = tpu.sem_alloc : memref<!tpu.dma_semaphore, #tpu.memory_space<semaphore_mem>>
        tpu.enqueue_dma source(%arg6 : memref<16xf32, #tpu.memory_space<hbm>>) target(%arg14 : memref<16xf32, #tpu.memory_space<vmem>>) target_semaphore(%run_scoped3A : memref<!tpu.dma_semaphore, #tpu.memory_space<semaphore_mem>>)
        tpu.wait_dma2 semaphore(%run_scoped3A : memref<!tpu.dma_semaphore, #tpu.memory_space<semaphore_mem>>) src(%arg6 : memref<16xf32, #tpu.memory_space<hbm>>) dst(%arg14 : memref<16xf32, #tpu.memory_space<vmem>>)
        tpu.yield
      }) : () -> ()
      %broadcast_in_dim3A_37 = vector.broadcast %add3A_30 : i32 to vector<16xi32>
      %gather3A = tpu.vector_load_idx %arg11[%broadcast_in_dim3A_37] : memref<16xf32, #tpu.memory_space<vmem>>[vector<16xi32>], vector<16xf32>,
      %gather3A_38 = tpu.vector_load_idx %arg13[%broadcast_in_dim3A_37] : memref<16xf32, #tpu.memory_space<vmem>>[vector<16xi32>], vector<16xf32>,
      %gather3A_39 = tpu.vector_load_idx %arg12[%broadcast_in_dim3A_37] : memref<16xf32, #tpu.memory_space<vmem>>[vector<16xi32>], vector<16xf32>,
      %mul3A_40 = arith.mulf %gather3A_38, %gather3A_39 : vector<16xf32>
      %gather3A_41 = tpu.vector_load_idx %arg14[%broadcast_in_dim3A_37] : memref<16xf32, #tpu.memory_space<vmem>>[vector<16xi32>], vector<16xf32>,
      %scan3A = arith.constant 0 : i32
      %scan3A_42 = arith.constant 0 : i32
      %scan3A_43 = arith.constant 512 : i32
      %scan3A_44 = arith.addi %scan3A_42, %scan3A_43 : i32
      %scan3A_45 = arith.constant 1 : i32
      %scan3A_46 = scf.for %scan3A_153 = %scan3A_42 to %scan3A_44 step %scan3A_45 iter_args(%scan3A_154 = %scan3A) -> (i32)  : i32 {
        %mul3A_155 = arith.constant 16 : i32
        %mul3A_156 = arith.muli %scan3A_153, %mul3A_155 : i32
        %swap3A_157 = arith.index_cast %mul3A_156 : i32 to index
        %swap3A_158 = tpu.vector_load %arg9[%swap3A_157] {strides = array<i32>} : memref<8192xf32, #tpu.memory_space<vmem>>, vector<16xf32>,
        tpu.vector_store %arg9[%swap3A_157], %broadcast_in_dim3A_34 {strides = array<i32>} : memref<8192xf32, #tpu.memory_space<vmem>>, vector<16xf32>,
        %mul3A_159 = arith.constant 16 : i32
        %mul3A_160 = arith.muli %scan3A_153, %mul3A_159 : i32
        %swap3A_161 = arith.index_cast %mul3A_160 : i32 to index
        %swap3A_162 = tpu.vector_load %arg10[%swap3A_161] {strides = array<i32>} : memref<8192xf32, #tpu.memory_space<vmem>>, vector<16xf32>,
        tpu.vector_store %arg10[%swap3A_161], %broadcast_in_dim3A_34 {strides = array<i32>} : memref<8192xf32, #tpu.memory_space<vmem>>, vector<16xf32>,
        %scan3A_163 = arith.constant 0 : i32
        scf.yield %scan3A_163 : i32
      }
      %scan3A_47 = arith.constant 512 : i32
      %broadcast_in_dim3A_48 = arith.constant 1.000000e+00 : f32
      %broadcast_in_dim3A_49 = vector.broadcast %broadcast_in_dim3A_48 : f32 to vector<16xf32>
      %scan3A_50 = arith.constant 0 : i32
      %scan3A_51 = arith.constant 0 : i32
      %scan3A_52 = arith.constant 6272 : i32
      %scan3A_53 = arith.addi %scan3A_51, %scan3A_52 : i32
      %scan3A_54 = arith.constant 1 : i32
      %scan3A_55 = scf.for %scan3A_153 = %scan3A_51 to %scan3A_53 step %scan3A_54 iter_args(%scan3A_154 = %scan3A_50) -> (i32)  : i32 {
        %mul3A_155 = arith.constant 16 : i32
        %mul3A_156 = arith.muli %scan3A_153, %mul3A_155 : i32
        %get3A = arith.index_cast %mul3A_156 : i32 to index
        %get3A_157 = tpu.vector_load %arg8[%get3A] {strides = array<i32>} : memref<100352xf32, #tpu.memory_space<vmem>>, vector<16xf32>,
        %bitcast_convert_type3A_158 = tpu.bitcast %get3A_157 : vector<16xf32> -> vector<16xi32>
        %ge3A_159 = arith.constant 0 : i32
        %ge3A_160 = vector.broadcast %ge3A_159 : i32 to vector<16xi32>
        %ge3A_161 = arith.cmpi sge, %bitcast_convert_type3A_158, %ge3A_160 : vector<16xi32>
        %sub3A_162 = arith.constant -2147483648 : i32
        %sub3A_163 = vector.broadcast %sub3A_162 : i32 to vector<16xi32>
        %sub3A_164 = arith.subi %sub3A_163, %bitcast_convert_type3A_158 : vector<16xi32>
        %sub3A_165 = arith.constant 1 : i32
        %sub3A_166 = vector.broadcast %sub3A_165 : i32 to vector<16xi32>
        %sub3A_167 = arith.subi %sub3A_164, %sub3A_166 : vector<16xi32>
        %select_n3A_168 = arith.select %ge3A_161, %bitcast_convert_type3A_158, %sub3A_167 : vector<16xi1>, vector<16xi32>
        %shift_right_arithmetic3A = arith.constant 19 : i32
        %shift_right_arithmetic3A_169 = vector.broadcast %shift_right_arithmetic3A : i32 to vector<16xi32>
        %shift_right_arithmetic3A_170 = arith.shrsi %select_n3A_168, %shift_right_arithmetic3A_169 : vector<16xi32>
        %sub3A_171 = arith.constant 4095 : i32
        %sub3A_172 = vector.broadcast %sub3A_171 : i32 to vector<16xi32>
        %sub3A_173 = arith.subi %sub3A_172, %shift_right_arithmetic3A_170 : vector<16xi32>
        %sub3A_174 = arith.subf %get3A_157, %gather3A : vector<16xf32>
        %exp3A = math.exp %sub3A_174 : vector<16xf32>
        tpu.vector_store_idx %arg9[%sub3A_173], %broadcast_in_dim3A_49 {add = true} : memref<8192xf32, #tpu.memory_space<vmem>>[vector<16xi32>], vector<16xf32>,
        tpu.vector_store_idx %arg10[%sub3A_173], %exp3A {add = true} : memref<8192xf32, #tpu.memory_space<vmem>>[vector<16xi32>], vector<16xf32>,
        %scan3A_175 = arith.constant 0 : i32
        scf.yield %scan3A_175 : i32
      }
      %scan3A_56 = arith.constant 6272 : i32
      %broadcast_in_dim3A_57 = arith.constant 2147483647 : i32
      %broadcast_in_dim3A_58 = vector.broadcast %broadcast_in_dim3A_57 : i32 to vector<16xi32>
      %scan3A_59 = arith.constant 0 : i32
      %scan3A_60 = arith.constant 512 : i32
      %scan3A_61 = arith.addi %scan3A_59, %scan3A_60 : i32
      %scan3A_62 = arith.constant 1 : i32
      %scan3A_63:3 = scf.for %scan3A_153 = %scan3A_59 to %scan3A_61 step %scan3A_62 iter_args(%scan3A_154 = %broadcast_in_dim3A_34, %scan3A_155 = %broadcast_in_dim3A_34, %scan3A_156 = %broadcast_in_dim3A_58) -> (vector<16xf32>, vector<16xf32>, vector<16xi32>)  : i32 {
        %mul3A_157 = arith.constant 16 : i32
        %mul3A_158 = arith.muli %scan3A_153, %mul3A_157 : i32
        %get3A = arith.index_cast %mul3A_158 : i32 to index
        %get3A_159 = tpu.vector_load %arg9[%get3A] {strides = array<i32>} : memref<8192xf32, #tpu.memory_space<vmem>>, vector<16xf32>,
        %mul3A_160 = arith.constant 16 : i32
        %mul3A_161 = arith.muli %scan3A_153, %mul3A_160 : i32
        %get3A_162 = arith.index_cast %mul3A_161 : i32 to index
        %get3A_163 = tpu.vector_load %arg10[%get3A_162] {strides = array<i32>} : memref<8192xf32, #tpu.memory_space<vmem>>, vector<16xf32>,
        %broadcast_in_dim3A_164 = arith.constant true
        %broadcast_in_dim3A_165 = vector.broadcast %broadcast_in_dim3A_164 : i1 to vector<16xi1>
        %masked_cumsum3A = tpu.scan <sum>, %get3A_159 masked %broadcast_in_dim3A_165 : vector<16xf32>, vector<16xi1> -> vector<16xf32>
        %broadcast_in_dim3A_166 = arith.constant true
        %broadcast_in_dim3A_167 = vector.broadcast %broadcast_in_dim3A_166 : i1 to vector<16xi1>
        %masked_cumsum3A_168 = tpu.scan <sum>, %get3A_163 masked %broadcast_in_dim3A_167 : vector<16xf32>, vector<16xi1> -> vector<16xf32>
        %sub3A_169 = arith.subf %masked_cumsum3A, %get3A_159 : vector<16xf32>
        %add3A_170 = arith.addf %scan3A_154, %sub3A_169 : vector<16xf32>
        %sub3A_171 = arith.subf %masked_cumsum3A_168, %get3A_163 : vector<16xf32>
        %add3A_172 = arith.addf %scan3A_155, %sub3A_171 : vector<16xf32>
        %le3A = arith.cmpf ole, %add3A_172, %mul3A_40 : vector<16xf32>
        %lt3A_173 = arith.cmpf olt, %add3A_170, %gather3A_41 : vector<16xf32>
        %and3A_174 = arith.andi %le3A, %lt3A_173 : vector<16xi1>
        %not3A = arith.constant dense<true> : vector<16xi1>
        %not3A_175 = arith.xori %and3A_174, %not3A : vector<16xi1>
        %mul3A_176 = arith.constant 16 : i32
        %mul3A_177 = arith.muli %scan3A_153, %mul3A_176 : i32
        %add3A_178 = vector.broadcast %mul3A_177 : i32 to vector<16xi32>
        %add3A_179 = arith.addi %add3A_178, %iota3A : vector<16xi32>
        %jit3A_180 = arith.constant 2147483647 : i32
        %broadcast_in_dim3A_181 = vector.broadcast %jit3A_180 : i32 to vector<16xi32>
        %select_n3A_182 = arith.select %not3A_175, %add3A_179, %broadcast_in_dim3A_181 : vector<16xi1>, vector<16xi32>
        %convert_element_type3A_183 = arith.fptosi %broadcast_in_dim3A_34 : vector<16xf32> to vector<16xi32>
        %reduce_min3A = arith.constant true
        %reduce_min3A_184 = vector.broadcast %reduce_min3A : i1 to vector<16xi1>
        %reduce_min3A_185 = arith.constant -2147483648 : i32
        %reduce_min3A_186 = vector.broadcast %reduce_min3A_185 : i32 to vector<16xi32>
        %reduce_min3A_187 = arith.xori %select_n3A_182, %reduce_min3A_186 : vector<16xi32>
        %reduce_min3A_188 = tpu.scan <min>, %reduce_min3A_187 masked %reduce_min3A_184 : vector<16xi32>, vector<16xi1> -> vector<16xi32>
        %reduce_min3A_189 = arith.xori %reduce_min3A_188, %reduce_min3A_186 : vector<16xi32>
        %reduce_min3A_190 = vector.extract %reduce_min3A_189[15] : i32 from vector<16xi32>
        %add3A_191 = vector.broadcast %reduce_min3A_190 : i32 to vector<16xi32>
        %add3A_192 = arith.addi %convert_element_type3A_183, %add3A_191 : vector<16xi32>
        %min3A = arith.minsi %scan3A_156, %add3A_192 : vector<16xi32>
        %reduce_max3A = arith.constant true
        %reduce_max3A_193 = vector.broadcast %reduce_max3A : i1 to vector<16xi1>
        %reduce_max3A_194 = tpu.scan <max>, %masked_cumsum3A masked %reduce_max3A_193 : vector<16xf32>, vector<16xi1> -> vector<16xf32>
        %reduce_max3A_195 = vector.extract %reduce_max3A_194[15] : f32 from vector<16xf32>
        %add3A_196 = vector.broadcast %reduce_max3A_195 : f32 to vector<16xf32>
        %add3A_197 = arith.addf %scan3A_154, %add3A_196 : vector<16xf32>
        %reduce_max3A_198 = arith.constant true
        %reduce_max3A_199 = vector.broadcast %reduce_max3A_198 : i1 to vector<16xi1>
        %reduce_max3A_200 = tpu.scan <max>, %masked_cumsum3A_168 masked %reduce_max3A_199 : vector<16xf32>, vector<16xi1> -> vector<16xf32>
        %reduce_max3A_201 = vector.extract %reduce_max3A_200[15] : f32 from vector<16xf32>
        %add3A_202 = vector.broadcast %reduce_max3A_201 : f32 to vector<16xf32>
        %add3A_203 = arith.addf %scan3A_155, %add3A_202 : vector<16xf32>
        scf.yield %add3A_197, %add3A_203, %min3A : vector<16xf32>, vector<16xf32>, vector<16xi32>
      }
      %scan3A_64 = arith.constant 512 : i32
      %sub3A_65 = arith.constant 1 : i32
      %sub3A_66 = vector.broadcast %sub3A_65 : i32 to vector<16xi32>
      %sub3A_67 = arith.subi %scan3A_63#2, %sub3A_66 : vector<16xi32>
      %scan3A_68 = arith.constant 0 : i32
      %scan3A_69 = arith.constant 512 : i32
      %scan3A_70 = arith.addi %scan3A_68, %scan3A_69 : i32
      %scan3A_71 = arith.constant 1 : i32
      %scan3A_72:2 = scf.for %scan3A_153 = %scan3A_68 to %scan3A_70 step %scan3A_71 iter_args(%scan3A_154 = %broadcast_in_dim3A_34, %scan3A_155 = %broadcast_in_dim3A_34) -> (vector<16xf32>, vector<16xf32>)  : i32 {
        %mul3A_156 = arith.constant 16 : i32
        %mul3A_157 = arith.muli %scan3A_153, %mul3A_156 : i32
        %get3A = arith.index_cast %mul3A_157 : i32 to index
        %get3A_158 = tpu.vector_load %arg9[%get3A] {strides = array<i32>} : memref<8192xf32, #tpu.memory_space<vmem>>, vector<16xf32>,
        %mul3A_159 = arith.constant 16 : i32
        %mul3A_160 = arith.muli %scan3A_153, %mul3A_159 : i32
        %get3A_161 = arith.index_cast %mul3A_160 : i32 to index
        %get3A_162 = tpu.vector_load %arg10[%get3A_161] {strides = array<i32>} : memref<8192xf32, #tpu.memory_space<vmem>>, vector<16xf32>,
        %mul3A_163 = arith.constant 16 : i32
        %mul3A_164 = arith.muli %scan3A_153, %mul3A_163 : i32
        %add3A_165 = vector.broadcast %mul3A_164 : i32 to vector<16xi32>
        %add3A_166 = arith.addi %add3A_165, %iota3A : vector<16xi32>
        %lt3A_167 = arith.cmpi slt, %add3A_166, %sub3A_67 : vector<16xi32>
        %jit3A_168 = arith.constant 0.000000e+00 : f32
        %broadcast_in_dim3A_169 = vector.broadcast %jit3A_168 : f32 to vector<16xf32>
        %select_n3A_170 = arith.select %lt3A_167, %get3A_158, %broadcast_in_dim3A_169 : vector<16xi1>, vector<16xf32>
        %add3A_171 = arith.addf %scan3A_154, %select_n3A_170 : vector<16xf32>
        %jit3A_172 = arith.constant 0.000000e+00 : f32
        %broadcast_in_dim3A_173 = vector.broadcast %jit3A_172 : f32 to vector<16xf32>
        %select_n3A_174 = arith.select %lt3A_167, %get3A_162, %broadcast_in_dim3A_173 : vector<16xi1>, vector<16xf32>
        %add3A_175 = arith.addf %scan3A_155, %select_n3A_174 : vector<16xf32>
        scf.yield %add3A_171, %add3A_175 : vector<16xf32>, vector<16xf32>
      }
      %scan3A_73 = arith.constant 512 : i32
      %reduce_sum3A = arith.constant true
      %reduce_sum3A_74 = vector.broadcast %reduce_sum3A : i1 to vector<16xi1>
      %reduce_sum3A_75 = tpu.scan <sum>, %scan3A_72#0 masked %reduce_sum3A_74 : vector<16xf32>, vector<16xi1> -> vector<16xf32>
      %reduce_sum3A_76 = vector.extract %reduce_sum3A_75[15] : f32 from vector<16xf32>
      %add3A_77 = vector.broadcast %reduce_sum3A_76 : f32 to vector<16xf32>
      %add3A_78 = arith.addf %broadcast_in_dim3A_34, %add3A_77 : vector<16xf32>
      %reduce_sum3A_79 = arith.constant true
      %reduce_sum3A_80 = vector.broadcast %reduce_sum3A_79 : i1 to vector<16xi1>
      %reduce_sum3A_81 = tpu.scan <sum>, %scan3A_72#1 masked %reduce_sum3A_80 : vector<16xf32>, vector<16xi1> -> vector<16xf32>
      %reduce_sum3A_82 = vector.extract %reduce_sum3A_81[15] : f32 from vector<16xf32>
      %add3A_83 = vector.broadcast %reduce_sum3A_82 : f32 to vector<16xf32>
      %add3A_84 = arith.addf %broadcast_in_dim3A_34, %add3A_83 : vector<16xf32>
      %scan3A_85 = arith.constant 0 : i32
      %scan3A_86 = arith.constant 0 : i32
      %scan3A_87 = arith.constant 6272 : i32
      %scan3A_88 = arith.addi %scan3A_86, %scan3A_87 : i32
      %scan3A_89 = arith.constant 1 : i32
      %scan3A_90 = scf.for %scan3A_153 = %scan3A_86 to %scan3A_88 step %scan3A_89 iter_args(%scan3A_154 = %scan3A_85) -> (i32)  : i32 {
        %mul3A_155 = arith.constant 16 : i32
        %mul3A_156 = arith.muli %scan3A_153, %mul3A_155 : i32
        %get3A = arith.index_cast %mul3A_156 : i32 to index
        %get3A_157 = tpu.vector_load %arg8[%get3A] {strides = array<i32>} : memref<100352xf32, #tpu.memory_space<vmem>>, vector<16xf32>,
        %bitcast_convert_type3A_158 = tpu.bitcast %get3A_157 : vector<16xf32> -> vector<16xi32>
        %ge3A_159 = arith.constant 0 : i32
        %ge3A_160 = vector.broadcast %ge3A_159 : i32 to vector<16xi32>
        %ge3A_161 = arith.cmpi sge, %bitcast_convert_type3A_158, %ge3A_160 : vector<16xi32>
        %sub3A_162 = arith.constant -2147483648 : i32
        %sub3A_163 = vector.broadcast %sub3A_162 : i32 to vector<16xi32>
        %sub3A_164 = arith.subi %sub3A_163, %bitcast_convert_type3A_158 : vector<16xi32>
        %sub3A_165 = arith.constant 1 : i32
        %sub3A_166 = vector.broadcast %sub3A_165 : i32 to vector<16xi32>
        %sub3A_167 = arith.subi %sub3A_164, %sub3A_166 : vector<16xi32>
        %select_n3A_168 = arith.select %ge3A_161, %bitcast_convert_type3A_158, %sub3A_167 : vector<16xi1>, vector<16xi32>
        %shift_right_arithmetic3A = arith.constant 19 : i32
        %shift_right_arithmetic3A_169 = vector.broadcast %shift_right_arithmetic3A : i32 to vector<16xi32>
        %shift_right_arithmetic3A_170 = arith.shrsi %select_n3A_168, %shift_right_arithmetic3A_169 : vector<16xi32>
        %sub3A_171 = arith.constant 4095 : i32
        %sub3A_172 = vector.broadcast %sub3A_171 : i32 to vector<16xi32>
        %sub3A_173 = arith.subi %sub3A_172, %shift_right_arithmetic3A_170 : vector<16xi32>
        %eq3A_174 = arith.cmpi eq, %sub3A_173, %sub3A_67 : vector<16xi32>
        %swap3A_175 = arith.index_cast %scan3A_154 : i32 to index
        %swap3A_176 = tpu.vector_load %arg8[%swap3A_175] masked %eq3A_174 {strides = array<i32>} : memref<100352xf32, #tpu.memory_space<vmem>>, vector<16xf32>, vector<16xi1>
        tpu.vector_store %arg8[%swap3A_175], %get3A_157 masked %eq3A_174 {strides = array<i32>} : memref<100352xf32, #tpu.memory_space<vmem>>, vector<16xf32>, vector<16xi1>
        %jit3A_177 = arith.constant 1.000000e+00 : f32
        %jit3A_178 = arith.constant 0.000000e+00 : f32
        %broadcast_in_dim3A_179 = vector.broadcast %jit3A_177 : f32 to vector<16xf32>
        %broadcast_in_dim3A_180 = vector.broadcast %jit3A_178 : f32 to vector<16xf32>
        %select_n3A_181 = arith.select %eq3A_174, %broadcast_in_dim3A_179, %broadcast_in_dim3A_180 : vector<16xi1>, vector<16xf32>
        %reduce_sum3A_182 = arith.constant true
        %reduce_sum3A_183 = vector.broadcast %reduce_sum3A_182 : i1 to vector<16xi1>
        %reduce_sum3A_184 = tpu.scan <sum>, %select_n3A_181 masked %reduce_sum3A_183 : vector<16xf32>, vector<16xi1> -> vector<16xf32>
        %reduce_sum3A_185 = vector.extract %reduce_sum3A_184[15] : f32 from vector<16xf32>
        %convert_element_type3A_186 = arith.fptosi %reduce_sum3A_185 : f32 to i32
        %add3A_187 = arith.addi %scan3A_154, %convert_element_type3A_186 : i32
        scf.yield %add3A_187 : i32
      }
      %scan3A_91 = arith.constant 6272 : i32
      %add3A_92 = arith.constant 15 : i32
      %add3A_93 = arith.addi %scan3A_90, %add3A_92 : i32
      %jit3A_94 = arith.constant 16 : i32
      %div3A_95 = arith.divsi %add3A_93, %jit3A_94 : i32
      %sign3A_96 = arith.constant 0 : i32
      %sign3A_97 = arith.cmpi sgt, %add3A_93, %sign3A_96 : i32
      %sign3A_98 = arith.extui %sign3A_97 : i1 to i32
      %sign3A_99 = arith.constant 0 : i32
      %sign3A_100 = arith.cmpi slt, %add3A_93, %sign3A_99 : i32
      %sign3A_101 = arith.extui %sign3A_100 : i1 to i32
      %sign3A_102 = arith.subi %sign3A_98, %sign3A_101 : i32
      %sign3A_103 = arith.constant 0 : i32
      %sign3A_104 = arith.cmpi sgt, %jit3A_94, %sign3A_103 : i32
      %sign3A_105 = arith.extui %sign3A_104 : i1 to i32
      %sign3A_106 = arith.constant 0 : i32
      %sign3A_107 = arith.cmpi slt, %jit3A_94, %sign3A_106 : i32
      %sign3A_108 = arith.extui %sign3A_107 : i1 to i32
      %sign3A_109 = arith.subi %sign3A_105, %sign3A_108 : i32
      %ne3A_110 = arith.cmpi ne, %sign3A_102, %sign3A_109 : i32
      %rem3A_111 = arith.remsi %add3A_93, %jit3A_94 : i32
      %ne3A_112 = arith.constant 0 : i32
      %ne3A_113 = arith.cmpi ne, %rem3A_111, %ne3A_112 : i32
      %and3A_114 = arith.andi %ne3A_110, %ne3A_113 : i1
      %sub3A_115 = arith.constant 1 : i32
      %sub3A_116 = arith.subi %div3A_95, %sub3A_115 : i32
      %select_n3A_117 = arith.select %and3A_114, %sub3A_116, %div3A_95 : i32
      %convert_element_type3A_118 = arith.fptosi %broadcast_in_dim3A_34 : vector<16xf32> to vector<16xi32>
      %add3A_119 = vector.broadcast %scan3A_90 : i32 to vector<16xi32>
      %add3A_120 = arith.addi %convert_element_type3A_118, %add3A_119 : vector<16xi32>
      %sub3A_121 = arith.constant 4095 : i32
      %sub3A_122 = vector.broadcast %sub3A_121 : i32 to vector<16xi32>
      %sub3A_123 = arith.subi %sub3A_122, %sub3A_67 : vector<16xi32>
      %shift_left3A = arith.constant 19 : i32
      %shift_left3A_124 = vector.broadcast %shift_left3A : i32 to vector<16xi32>
      %shift_left3A_125 = arith.shli %sub3A_123, %shift_left3A_124 : vector<16xi32>
      %sub3A_126 = arith.constant 1 : i32
      %sub3A_127 = vector.broadcast %sub3A_126 : i32 to vector<16xi32>
      %sub3A_128 = arith.subi %shift_left3A_125, %sub3A_127 : vector<16xi32>
      %add3A_129 = arith.constant 524288 : i32
      %add3A_130 = vector.broadcast %add3A_129 : i32 to vector<16xi32>
      %add3A_131 = arith.addi %shift_left3A_125, %add3A_130 : vector<16xi32>
      %sub3A_132 = arith.constant 1 : i32
      %sub3A_133 = vector.broadcast %sub3A_132 : i32 to vector<16xi32>
      %sub3A_134 = arith.subi %add3A_131, %sub3A_133 : vector<16xi32>
      %scan3A_135 = arith.constant 0 : i32
      %scan3A_136 = arith.constant 19 : i32
      %scan3A_137 = arith.addi %scan3A_135, %scan3A_136 : i32
      %scan3A_138 = arith.constant 1 : i32
      %scan3A_139:2 = scf.for %scan3A_153 = %scan3A_135 to %scan3A_137 step %scan3A_138 iter_args(%scan3A_154 = %sub3A_128, %scan3A_155 = %sub3A_134) -> (vector<16xi32>, vector<16xi32>)  : i32 {
        %sub3A_156 = arith.subi %scan3A_155, %scan3A_154 : vector<16xi32>
        %shift_right_arithmetic3A = arith.constant 1 : i32
        %shift_right_arithmetic3A_157 = vector.broadcast %shift_right_arithmetic3A : i32 to vector<16xi32>
        %shift_right_arithmetic3A_158 = arith.shrsi %sub3A_156, %shift_right_arithmetic3A_157 : vector<16xi32>
        %add3A_159 = arith.addi %scan3A_154, %shift_right_arithmetic3A_158 : vector<16xi32>
        %while3A = arith.constant 0 : i32
        %while3A_160 = arith.subi %select_n3A_117, %while3A : i32
        %while3A_161 = arith.addi %while3A, %while3A_160 : i32
        %while3A_162 = arith.constant 1 : i32
        %while3A_163 = arith.divsi %while3A_160, %while3A_162 : i32
        %while3A_164 = arith.muli %while3A_163, %while3A_162 : i32
        %while3A_165 = arith.addi %while3A, %while3A_164 : i32
        %while3A_166 = arith.constant 1 : i32
        %while3A_167:2 = scf.for %while3A_186 = %while3A to %while3A_165 step %while3A_166 iter_args(%while3A_187 = %broadcast_in_dim3A_34, %while3A_188 = %broadcast_in_dim3A_34) -> (vector<16xf32>, vector<16xf32>)  : i32 {
          %mul3A_189 = arith.constant 16 : i32
          %mul3A_190 = arith.muli %while3A_186, %mul3A_189 : i32
          %get3A = arith.index_cast %mul3A_190 : i32 to index
          %get3A_191 = tpu.vector_load %arg8[%get3A] {strides = array<i32>} : memref<100352xf32, #tpu.memory_space<vmem>>, vector<16xf32>,
          %mul3A_192 = arith.constant 16 : i32
          %mul3A_193 = arith.muli %while3A_186, %mul3A_192 : i32
          %add3A_194 = vector.broadcast %mul3A_193 : i32 to vector<16xi32>
          %add3A_195 = arith.addi %add3A_194, %iota3A : vector<16xi32>
          %lt3A_196 = arith.cmpi slt, %add3A_195, %add3A_120 : vector<16xi32>
          %bitcast_convert_type3A_197 = tpu.bitcast %get3A_191 : vector<16xf32> -> vector<16xi32>
          %ge3A_198 = arith.constant 0 : i32
          %ge3A_199 = vector.broadcast %ge3A_198 : i32 to vector<16xi32>
          %ge3A_200 = arith.cmpi sge, %bitcast_convert_type3A_197, %ge3A_199 : vector<16xi32>
          %sub3A_201 = arith.constant -2147483648 : i32
          %sub3A_202 = vector.broadcast %sub3A_201 : i32 to vector<16xi32>
          %sub3A_203 = arith.subi %sub3A_202, %bitcast_convert_type3A_197 : vector<16xi32>
          %sub3A_204 = arith.constant 1 : i32
          %sub3A_205 = vector.broadcast %sub3A_204 : i32 to vector<16xi32>
          %sub3A_206 = arith.subi %sub3A_203, %sub3A_205 : vector<16xi32>
          %select_n3A_207 = arith.select %ge3A_200, %bitcast_convert_type3A_197, %sub3A_206 : vector<16xi1>, vector<16xi32>
          %gt3A = arith.cmpi sgt, %select_n3A_207, %add3A_159 : vector<16xi32>
          %and3A_208 = arith.andi %lt3A_196, %gt3A : vector<16xi1>
          %jit3A_209 = arith.constant 1.000000e+00 : f32
          %jit3A_210 = arith.constant 0.000000e+00 : f32
          %broadcast_in_dim3A_211 = vector.broadcast %jit3A_209 : f32 to vector<16xf32>
          %broadcast_in_dim3A_212 = vector.broadcast %jit3A_210 : f32 to vector<16xf32>
          %select_n3A_213 = arith.select %and3A_208, %broadcast_in_dim3A_211, %broadcast_in_dim3A_212 : vector<16xi1>, vector<16xf32>
          %add3A_214 = arith.addf %while3A_187, %select_n3A_213 : vector<16xf32>
          %sub3A_215 = arith.subf %get3A_191, %gather3A : vector<16xf32>
          %exp3A = math.exp %sub3A_215 : vector<16xf32>
          %jit3A_216 = arith.constant 0.000000e+00 : f32
          %broadcast_in_dim3A_217 = vector.broadcast %jit3A_216 : f32 to vector<16xf32>
          %select_n3A_218 = arith.select %and3A_208, %exp3A, %broadcast_in_dim3A_217 : vector<16xi1>, vector<16xf32>
          %add3A_219 = arith.addf %while3A_188, %select_n3A_218 : vector<16xf32>
          scf.yield %add3A_214, %add3A_219 : vector<16xf32>, vector<16xf32>
        }
        %while3A_168 = arith.constant 1 : i32
        %while3A_169:2 = scf.for %while3A_186 = %while3A_165 to %while3A_161 step %while3A_168 iter_args(%while3A_187 = %while3A_167#0, %while3A_188 = %while3A_167#1) -> (vector<16xf32>, vector<16xf32>)  : i32 {
          %mul3A_189 = arith.constant 16 : i32
          %mul3A_190 = arith.muli %while3A_186, %mul3A_189 : i32
          %get3A = arith.index_cast %mul3A_190 : i32 to index
          %get3A_191 = tpu.vector_load %arg8[%get3A] {strides = array<i32>} : memref<100352xf32, #tpu.memory_space<vmem>>, vector<16xf32>,
          %mul3A_192 = arith.constant 16 : i32
          %mul3A_193 = arith.muli %while3A_186, %mul3A_192 : i32
          %add3A_194 = vector.broadcast %mul3A_193 : i32 to vector<16xi32>
          %add3A_195 = arith.addi %add3A_194, %iota3A : vector<16xi32>
          %lt3A_196 = arith.cmpi slt, %add3A_195, %add3A_120 : vector<16xi32>
          %bitcast_convert_type3A_197 = tpu.bitcast %get3A_191 : vector<16xf32> -> vector<16xi32>
          %ge3A_198 = arith.constant 0 : i32
          %ge3A_199 = vector.broadcast %ge3A_198 : i32 to vector<16xi32>
          %ge3A_200 = arith.cmpi sge, %bitcast_convert_type3A_197, %ge3A_199 : vector<16xi32>
          %sub3A_201 = arith.constant -2147483648 : i32
          %sub3A_202 = vector.broadcast %sub3A_201 : i32 to vector<16xi32>
          %sub3A_203 = arith.subi %sub3A_202, %bitcast_convert_type3A_197 : vector<16xi32>
          %sub3A_204 = arith.constant 1 : i32
          %sub3A_205 = vector.broadcast %sub3A_204 : i32 to vector<16xi32>
          %sub3A_206 = arith.subi %sub3A_203, %sub3A_205 : vector<16xi32>
          %select_n3A_207 = arith.select %ge3A_200, %bitcast_convert_type3A_197, %sub3A_206 : vector<16xi1>, vector<16xi32>
          %gt3A = arith.cmpi sgt, %select_n3A_207, %add3A_159 : vector<16xi32>
          %and3A_208 = arith.andi %lt3A_196, %gt3A : vector<16xi1>
          %jit3A_209 = arith.constant 1.000000e+00 : f32
          %jit3A_210 = arith.constant 0.000000e+00 : f32
          %broadcast_in_dim3A_211 = vector.broadcast %jit3A_209 : f32 to vector<16xf32>
          %broadcast_in_dim3A_212 = vector.broadcast %jit3A_210 : f32 to vector<16xf32>
          %select_n3A_213 = arith.select %and3A_208, %broadcast_in_dim3A_211, %broadcast_in_dim3A_212 : vector<16xi1>, vector<16xf32>
          %add3A_214 = arith.addf %while3A_187, %select_n3A_213 : vector<16xf32>
          %sub3A_215 = arith.subf %get3A_191, %gather3A : vector<16xf32>
          %exp3A = math.exp %sub3A_215 : vector<16xf32>
          %jit3A_216 = arith.constant 0.000000e+00 : f32
          %broadcast_in_dim3A_217 = vector.broadcast %jit3A_216 : f32 to vector<16xf32>
          %select_n3A_218 = arith.select %and3A_208, %exp3A, %broadcast_in_dim3A_217 : vector<16xi1>, vector<16xf32>
          %add3A_219 = arith.addf %while3A_188, %select_n3A_218 : vector<16xf32>
          scf.yield %add3A_214, %add3A_219 : vector<16xf32>, vector<16xf32>
        }
        %reduce_sum3A_170 = arith.constant true
        %reduce_sum3A_171 = vector.broadcast %reduce_sum3A_170 : i1 to vector<16xi1>
        %reduce_sum3A_172 = tpu.scan <sum>, %while3A_169#0 masked %reduce_sum3A_171 : vector<16xf32>, vector<16xi1> -> vector<16xf32>
        %reduce_sum3A_173 = vector.extract %reduce_sum3A_172[15] : f32 from vector<16xf32>
        %add3A_174 = vector.broadcast %reduce_sum3A_173 : f32 to vector<16xf32>
        %add3A_175 = arith.addf %add3A_78, %add3A_174 : vector<16xf32>
        %reduce_sum3A_176 = arith.constant true
        %reduce_sum3A_177 = vector.broadcast %reduce_sum3A_176 : i1 to vector<16xi1>
        %reduce_sum3A_178 = tpu.scan <sum>, %while3A_169#1 masked %reduce_sum3A_177 : vector<16xf32>, vector<16xi1> -> vector<16xf32>
        %reduce_sum3A_179 = vector.extract %reduce_sum3A_178[15] : f32 from vector<16xf32>
        %add3A_180 = vector.broadcast %reduce_sum3A_179 : f32 to vector<16xf32>
        %add3A_181 = arith.addf %add3A_84, %add3A_180 : vector<16xf32>
        %le3A = arith.cmpf ole, %add3A_181, %mul3A_40 : vector<16xf32>
        %lt3A_182 = arith.cmpf olt, %add3A_175, %gather3A_41 : vector<16xf32>
        %and3A_183 = arith.andi %le3A, %lt3A_182 : vector<16xi1>
        %select_n3A_184 = arith.select %and3A_183, %scan3A_154, %add3A_159 : vector<16xi1>, vector<16xi32>
        %select_n3A_185 = arith.select %and3A_183, %add3A_159, %scan3A_155 : vector<16xi1>, vector<16xi32>
        scf.yield %select_n3A_184, %select_n3A_185 : vector<16xi32>, vector<16xi32>
      }
      %scan3A_140 = arith.constant 19 : i32
      %ge3A = arith.constant 0 : i32
      %ge3A_141 = vector.broadcast %ge3A : i32 to vector<16xi32>
      %ge3A_142 = arith.cmpi sge, %scan3A_139#0, %ge3A_141 : vector<16xi32>
      %sub3A_143 = arith.constant -2147483648 : i32
      %sub3A_144 = vector.broadcast %sub3A_143 : i32 to vector<16xi32>
      %sub3A_145 = arith.subi %sub3A_144, %scan3A_139#0 : vector<16xi32>
      %sub3A_146 = arith.constant 1 : i32
      %sub3A_147 = vector.broadcast %sub3A_146 : i32 to vector<16xi32>
      %sub3A_148 = arith.subi %sub3A_145, %sub3A_147 : vector<16xi32>
      %select_n3A_149 = arith.select %ge3A_142, %scan3A_139#0, %sub3A_148 : vector<16xi1>, vector<16xi32>
      %bitcast_convert_type3A = tpu.bitcast %select_n3A_149 : vector<16xi32> -> vector<16xf32>
      %swap3A = arith.constant 0 : index
      %swap3A_150 = tpu.vector_load %arg15[%swap3A] {strides = array<i32>} : memref<16xf32, #tpu.memory_space<vmem>>, vector<16xf32>,
      tpu.vector_store %arg15[%swap3A], %bitcast_convert_type3A {strides = array<i32>} : memref<16xf32, #tpu.memory_space<vmem>>, vector<16xf32>,
      %mul3A_151 = arith.constant 16 : i32
      %mul3A_152 = arith.muli %add3A_30, %mul3A_151 : i32
      "tpu.region"() ({
        %run_scoped3A = tpu.sem_alloc : memref<!tpu.dma_semaphore, #tpu.memory_space<semaphore_mem>>
        %dma_start3A = tpu.memref_slice %arg7[%mul3A_152] : memref<256xf32, #tpu.memory_space<hbm>> -> memref<16xf32, #tpu.memory_space<hbm>>
        %dma_start3A_153 = tpu.memref_slice %arg7[%mul3A_152] : memref<256xf32, #tpu.memory_space<hbm>> -> memref<16xf32, #tpu.memory_space<hbm>>
        tpu.enqueue_dma source(%arg15 : memref<16xf32, #tpu.memory_space<vmem>>) target(%dma_start3A_153 : memref<16xf32, #tpu.memory_space<hbm>>) target_semaphore(%run_scoped3A : memref<!tpu.dma_semaphore, #tpu.memory_space<semaphore_mem>>)
        %dma_wait3A = tpu.memref_slice %arg7[%mul3A_152] : memref<256xf32, #tpu.memory_space<hbm>> -> memref<16xf32, #tpu.memory_space<hbm>>
        %dma_wait3A_154 = tpu.memref_slice %arg7[%mul3A_152] : memref<256xf32, #tpu.memory_space<hbm>> -> memref<16xf32, #tpu.memory_space<hbm>>
        tpu.wait_dma2 semaphore(%run_scoped3A : memref<!tpu.dma_semaphore, #tpu.memory_space<semaphore_mem>>) src(%arg15 : memref<16xf32, #tpu.memory_space<vmem>>) dst(%dma_wait3A_154 : memref<16xf32, #tpu.memory_space<hbm>>)
        tpu.yield
      }) : () -> ()
    } else {
    }
    return
  }
}

module attributes {stable_mosaic.version = 14 : i64} {
  func.func @_matmul_kernel(%arg0: i32, %arg1: memref<16x1024xf32, #tpu.memory_space<vmem>>, %arg2: memref<2048x1024xf32, #tpu.memory_space<vmem>>, %arg3: memref<16x1xf32, #tpu.memory_space<vmem>>, %arg4: memref<16x2048xf32, #tpu.memory_space<vmem>>, %arg5: memref<16x1xf32, #tpu.memory_space<vmem>>, %arg6: memref<16x1xf32, #tpu.memory_space<vmem>>, %arg7: memref<16x1xi32, #tpu.memory_space<vmem>>, %arg8: memref<16x1xf32, #tpu.memory_space<vmem>>, %arg9: memref<16x1xf32, #tpu.memory_space<vmem>>, %arg10: memref<16x1xi32, #tpu.memory_space<vmem>>) attributes {dimension_semantics = [#tpu.dimension_semantics<arbitrary>], iteration_bounds = array<i64: 49>, scalar_prefetch = 0 : i64, scratch_operands = 3 : i64, tpu.core_type = #tpu.core_type<tc>, window_params = [{pipeline_mode = #tpu.pipeline_mode<synchronous>, transform_indices = @transform_0, window_bounds = array<i64: 16, 1024>}, {transform_indices = @transform_1, window_bounds = array<i64: 2048, 1024>}, {pipeline_mode = #tpu.pipeline_mode<synchronous>, transform_indices = @transform_2, window_bounds = array<i64: 16, 1>}, {transform_indices = @transform_3, window_bounds = array<i64: 16, 2048>}, {pipeline_mode = #tpu.pipeline_mode<synchronous>, transform_indices = @transform_4, window_bounds = array<i64: 16, 1>}, {pipeline_mode = #tpu.pipeline_mode<synchronous>, transform_indices = @transform_5, window_bounds = array<i64: 16, 1>}, {pipeline_mode = #tpu.pipeline_mode<synchronous>, transform_indices = @transform_6, window_bounds = array<i64: 16, 1>}]} {
    %eq3A = arith.constant 0 : i32
    %eq3A_0 = arith.cmpi eq, %arg0, %eq3A : i32
    %convert_element_type3A = arith.extui %eq3A_0 : i1 to i32
    %cond3A = arith.constant 0 : i32
    %cond3A_1 = arith.cmpi ne, %convert_element_type3A, %cond3A : i32
    scf.if %cond3A_1 {
      %broadcast_in_dim3A_58 = arith.constant 0xFF800000 : f32
      %broadcast_in_dim3A_59 = vector.broadcast %broadcast_in_dim3A_58 : f32 to vector<16x1xf32>
      %swap3A_60 = arith.constant 0 : index
      %swap3A_61 = arith.constant 0 : index
      %swap3A_62 = vector.load %arg8[%swap3A_60, %swap3A_61] : memref<16x1xf32, #tpu.memory_space<vmem>>, vector<16x1xf32>
      tpu.vector_store %arg8[%swap3A_60, %swap3A_61], %broadcast_in_dim3A_59 {strides = array<i32>} : memref<16x1xf32, #tpu.memory_space<vmem>>, vector<16x1xf32>,
      %broadcast_in_dim3A_63 = arith.constant 0.000000e+00 : f32
      %broadcast_in_dim3A_64 = vector.broadcast %broadcast_in_dim3A_63 : f32 to vector<16x1xf32>
      %swap3A_65 = arith.constant 0 : index
      %swap3A_66 = arith.constant 0 : index
      %swap3A_67 = vector.load %arg9[%swap3A_65, %swap3A_66] : memref<16x1xf32, #tpu.memory_space<vmem>>, vector<16x1xf32>
      tpu.vector_store %arg9[%swap3A_65, %swap3A_66], %broadcast_in_dim3A_64 {strides = array<i32>} : memref<16x1xf32, #tpu.memory_space<vmem>>, vector<16x1xf32>,
      %broadcast_in_dim3A_68 = arith.constant 0 : i32
      %broadcast_in_dim3A_69 = vector.broadcast %broadcast_in_dim3A_68 : i32 to vector<16x1xi32>
      %swap3A_70 = arith.constant 0 : index
      %swap3A_71 = arith.constant 0 : index
      %swap3A_72 = vector.load %arg10[%swap3A_70, %swap3A_71] : memref<16x1xi32, #tpu.memory_space<vmem>>, vector<16x1xi32>
      tpu.vector_store %arg10[%swap3A_70, %swap3A_71], %broadcast_in_dim3A_69 {strides = array<i32>} : memref<16x1xi32, #tpu.memory_space<vmem>>, vector<16x1xi32>,
    } else {
    }
    %get3A = arith.constant 0 : index
    %get3A_2 = arith.constant 0 : index
    %get3A_3 = vector.load %arg1[%get3A, %get3A_2] : memref<16x1024xf32, #tpu.memory_space<vmem>>, vector<16x1024xf32>
    %get3A_4 = arith.constant 0 : index
    %get3A_5 = arith.constant 0 : index
    %get3A_6 = vector.load %arg2[%get3A_4, %get3A_5] : memref<2048x1024xf32, #tpu.memory_space<vmem>>, vector<2048x1024xf32>
    %dot_general3A = arith.constant dense<0.000000e+00> : vector<16x2048xf32>
    %dot_general3A_7 = tpu.matmul %get3A_3, %get3A_6, %dot_general3A {dimension_numbers = #tpu.dot_dimension_numbers<[1], [1], [0], [0], [0, 0, 1, 0], [], []>, transpose_lhs_hint = false} : vector<16x1024xf32>, vector<2048x1024xf32>, vector<16x2048xf32> -> vector<16x2048xf32>
    %get3A_8 = arith.constant 0 : index
    %get3A_9 = arith.constant 0 : index
    %get3A_10 = vector.load %arg3[%get3A_8, %get3A_9] : memref<16x1xf32, #tpu.memory_space<vmem>>, vector<16x1xf32>
    %div3A = vector.broadcast %get3A_10 : vector<16x1xf32> to vector<16x2048xf32>
    %div3A_11 = arith.divf %dot_general3A_7, %div3A : vector<16x2048xf32>
    %mul3A = arith.constant 2048 : i32
    %mul3A_12 = arith.muli %arg0, %mul3A : i32
    %iota3A = tpu.iota {dimensions = array<i32: 1>} : vector<16x2048xi32>
    %add3A = vector.broadcast %mul3A_12 : i32 to vector<16x2048xi32>
    %add3A_13 = arith.addi %add3A, %iota3A : vector<16x2048xi32>
    %lt3A = arith.constant 100000 : i32
    %lt3A_14 = vector.broadcast %lt3A : i32 to vector<16x2048xi32>
    %lt3A_15 = arith.cmpi slt, %add3A_13, %lt3A_14 : vector<16x2048xi32>
    %jit3A = arith.constant 0xFF800000 : f32
    %broadcast_in_dim3A = vector.broadcast %jit3A : f32 to vector<16x2048xf32>
    %select_n3A = arith.select %lt3A_15, %div3A_11, %broadcast_in_dim3A : vector<16x2048xi1>, vector<16x2048xf32>
    %swap3A = arith.constant 0 : index
    %swap3A_16 = arith.constant 0 : index
    %swap3A_17 = vector.load %arg4[%swap3A, %swap3A_16] : memref<16x2048xf32, #tpu.memory_space<vmem>>, vector<16x2048xf32>
    tpu.vector_store %arg4[%swap3A, %swap3A_16], %select_n3A {strides = array<i32>} : memref<16x2048xf32, #tpu.memory_space<vmem>>, vector<16x2048xf32>,
    %reduce_max3A = arith.constant dense<0xFF800000> : vector<16xf32>
    %reduce_max3A_18 = vector.multi_reduction <maximumf>, %select_n3A, %reduce_max3A [1] : vector<16x2048xf32> to vector<16xf32>
    %broadcast_in_dim3A_19 = vector.shape_cast %reduce_max3A_18 : vector<16xf32> to vector<16x1xf32>
    %eq3A_20 = vector.broadcast %broadcast_in_dim3A_19 : vector<16x1xf32> to vector<16x2048xf32>
    %eq3A_21 = arith.cmpf oeq, %select_n3A, %eq3A_20 : vector<16x2048xf32>
    %jit3A_22 = arith.constant 2147483647 : i32
    %broadcast_in_dim3A_23 = vector.broadcast %jit3A_22 : i32 to vector<16x2048xi32>
    %select_n3A_24 = arith.select %eq3A_21, %add3A_13, %broadcast_in_dim3A_23 : vector<16x2048xi1>, vector<16x2048xi32>
    %reduce_min3A = arith.constant dense<2147483647> : vector<16xi32>
    %reduce_min3A_25 = vector.multi_reduction <minsi>, %select_n3A_24, %reduce_min3A [1] : vector<16x2048xi32> to vector<16xi32>
    %broadcast_in_dim3A_26 = vector.shape_cast %reduce_min3A_25 : vector<16xi32> to vector<16x1xi32>
    %get3A_27 = arith.constant 0 : index
    %get3A_28 = arith.constant 0 : index
    %get3A_29 = vector.load %arg8[%get3A_27, %get3A_28] : memref<16x1xf32, #tpu.memory_space<vmem>>, vector<16x1xf32>
    %max3A = arith.maximumf %get3A_29, %broadcast_in_dim3A_19 : vector<16x1xf32>
    %get3A_30 = arith.constant 0 : index
    %get3A_31 = arith.constant 0 : index
    %get3A_32 = vector.load %arg9[%get3A_30, %get3A_31] : memref<16x1xf32, #tpu.memory_space<vmem>>, vector<16x1xf32>
    %sub3A = arith.subf %get3A_29, %max3A : vector<16x1xf32>
    %exp3A = math.exp %sub3A : vector<16x1xf32>
    %mul3A_33 = arith.mulf %get3A_32, %exp3A : vector<16x1xf32>
    %sub3A_34 = vector.broadcast %max3A : vector<16x1xf32> to vector<16x2048xf32>
    %sub3A_35 = arith.subf %select_n3A, %sub3A_34 : vector<16x2048xf32>
    %exp3A_36 = math.exp %sub3A_35 : vector<16x2048xf32>
    %reduce_sum3A = arith.constant dense<0.000000e+00> : vector<16xf32>
    %reduce_sum3A_37 = vector.multi_reduction <add>, %exp3A_36, %reduce_sum3A [1] : vector<16x2048xf32> to vector<16xf32>
    %broadcast_in_dim3A_38 = vector.shape_cast %reduce_sum3A_37 : vector<16xf32> to vector<16x1xf32>
    %add3A_39 = arith.addf %mul3A_33, %broadcast_in_dim3A_38 : vector<16x1xf32>
    %swap3A_40 = arith.constant 0 : index
    %swap3A_41 = arith.constant 0 : index
    %swap3A_42 = vector.load %arg9[%swap3A_40, %swap3A_41] : memref<16x1xf32, #tpu.memory_space<vmem>>, vector<16x1xf32>
    tpu.vector_store %arg9[%swap3A_40, %swap3A_41], %add3A_39 {strides = array<i32>} : memref<16x1xf32, #tpu.memory_space<vmem>>, vector<16x1xf32>,
    %gt3A = arith.cmpf ogt, %broadcast_in_dim3A_19, %get3A_29 : vector<16x1xf32>
    %get3A_43 = arith.constant 0 : index
    %get3A_44 = arith.constant 0 : index
    %get3A_45 = vector.load %arg10[%get3A_43, %get3A_44] : memref<16x1xi32, #tpu.memory_space<vmem>>, vector<16x1xi32>
    %select_n3A_46 = arith.select %gt3A, %broadcast_in_dim3A_26, %get3A_45 : vector<16x1xi1>, vector<16x1xi32>
    %swap3A_47 = arith.constant 0 : index
    %swap3A_48 = arith.constant 0 : index
    %swap3A_49 = vector.load %arg10[%swap3A_47, %swap3A_48] : memref<16x1xi32, #tpu.memory_space<vmem>>, vector<16x1xi32>
    tpu.vector_store %arg10[%swap3A_47, %swap3A_48], %select_n3A_46 {strides = array<i32>} : memref<16x1xi32, #tpu.memory_space<vmem>>, vector<16x1xi32>,
    %swap3A_50 = arith.constant 0 : index
    %swap3A_51 = arith.constant 0 : index
    %swap3A_52 = vector.load %arg8[%swap3A_50, %swap3A_51] : memref<16x1xf32, #tpu.memory_space<vmem>>, vector<16x1xf32>
    tpu.vector_store %arg8[%swap3A_50, %swap3A_51], %max3A {strides = array<i32>} : memref<16x1xf32, #tpu.memory_space<vmem>>, vector<16x1xf32>,
    %eq3A_53 = arith.constant 48 : i32
    %eq3A_54 = arith.cmpi eq, %arg0, %eq3A_53 : i32
    %convert_element_type3A_55 = arith.extui %eq3A_54 : i1 to i32
    %cond3A_56 = arith.constant 0 : i32
    %cond3A_57 = arith.cmpi ne, %convert_element_type3A_55, %cond3A_56 : i32
    scf.if %cond3A_57 {
      %get3A_58 = arith.constant 0 : index
      %get3A_59 = arith.constant 0 : index
      %get3A_60 = vector.load %arg8[%get3A_58, %get3A_59] : memref<16x1xf32, #tpu.memory_space<vmem>>, vector<16x1xf32>
      %swap3A_61 = arith.constant 0 : index
      %swap3A_62 = arith.constant 0 : index
      %swap3A_63 = vector.load %arg5[%swap3A_61, %swap3A_62] : memref<16x1xf32, #tpu.memory_space<vmem>>, vector<16x1xf32>
      tpu.vector_store %arg5[%swap3A_61, %swap3A_62], %get3A_60 {strides = array<i32>} : memref<16x1xf32, #tpu.memory_space<vmem>>, vector<16x1xf32>,
      %get3A_64 = arith.constant 0 : index
      %get3A_65 = arith.constant 0 : index
      %get3A_66 = vector.load %arg9[%get3A_64, %get3A_65] : memref<16x1xf32, #tpu.memory_space<vmem>>, vector<16x1xf32>
      %swap3A_67 = arith.constant 0 : index
      %swap3A_68 = arith.constant 0 : index
      %swap3A_69 = vector.load %arg6[%swap3A_67, %swap3A_68] : memref<16x1xf32, #tpu.memory_space<vmem>>, vector<16x1xf32>
      tpu.vector_store %arg6[%swap3A_67, %swap3A_68], %get3A_66 {strides = array<i32>} : memref<16x1xf32, #tpu.memory_space<vmem>>, vector<16x1xf32>,
      %get3A_70 = arith.constant 0 : index
      %get3A_71 = arith.constant 0 : index
      %get3A_72 = vector.load %arg10[%get3A_70, %get3A_71] : memref<16x1xi32, #tpu.memory_space<vmem>>, vector<16x1xi32>
      %swap3A_73 = arith.constant 0 : index
      %swap3A_74 = arith.constant 0 : index
      %swap3A_75 = vector.load %arg7[%swap3A_73, %swap3A_74] : memref<16x1xi32, #tpu.memory_space<vmem>>, vector<16x1xi32>
      tpu.vector_store %arg7[%swap3A_73, %swap3A_74], %get3A_72 {strides = array<i32>} : memref<16x1xi32, #tpu.memory_space<vmem>>, vector<16x1xi32>,
    } else {
    }
    return
  }
  func.func @transform_0(%arg0: i32) -> (i32, i32) {
    %c0_i32 = arith.constant 0 : i32
    %c0_i32_0 = arith.constant 0 : i32
    %c0_i32_1 = arith.constant 0 : i32
    return %c0_i32, %c0_i32_0 : i32, i32
  }
  func.func @transform_1(%arg0: i32) -> (i32, i32) {
    %c0_i32 = arith.constant 0 : i32
    %c0_i32_0 = arith.constant 0 : i32
    return %arg0, %c0_i32 : i32, i32
  }
  func.func @transform_2(%arg0: i32) -> (i32, i32) {
    %c0_i32 = arith.constant 0 : i32
    %c0_i32_0 = arith.constant 0 : i32
    %c0_i32_1 = arith.constant 0 : i32
    return %c0_i32, %c0_i32_0 : i32, i32
  }
  func.func @transform_3(%arg0: i32) -> (i32, i32) {
    %c0_i32 = arith.constant 0 : i32
    %c0_i32_0 = arith.constant 0 : i32
    return %c0_i32, %arg0 : i32, i32
  }
  func.func @transform_4(%arg0: i32) -> (i32, i32) {
    %c0_i32 = arith.constant 0 : i32
    %c0_i32_0 = arith.constant 0 : i32
    %c0_i32_1 = arith.constant 0 : i32
    return %c0_i32, %c0_i32_0 : i32, i32
  }
  func.func @transform_5(%arg0: i32) -> (i32, i32) {
    %c0_i32 = arith.constant 0 : i32
    %c0_i32_0 = arith.constant 0 : i32
    %c0_i32_1 = arith.constant 0 : i32
    return %c0_i32, %c0_i32_0 : i32, i32
  }
  func.func @transform_6(%arg0: i32) -> (i32, i32) {
    %c0_i32 = arith.constant 0 : i32
    %c0_i32_0 = arith.constant 0 : i32
    %c0_i32_1 = arith.constant 0 : i32
    return %c0_i32, %c0_i32_0 : i32, i32
  }
}

module attributes {stable_mosaic.version = 14 : i64} {
  func.func @_emit_kernel(%arg0: memref<16x100352xf32, #tpu.memory_space<vmem>>, %arg1: memref<16x1xf32, #tpu.memory_space<vmem>>, %arg2: memref<16x1xf32, #tpu.memory_space<vmem>>, %arg3: memref<16x100000xf32, #tpu.memory_space<vmem>>, %arg4: memref<16x100000xf32, #tpu.memory_space<vmem>>) attributes {dimension_semantics = [], scalar_prefetch = 0 : i64, scratch_operands = 0 : i64, tpu.core_type = #tpu.core_type<tc>} {
    %get3A = arith.constant 0 : index
    %get3A_0 = arith.constant 0 : index
    %get3A_1 = vector.load %arg1[%get3A, %get3A_0] : memref<16x1xf32, #tpu.memory_space<vmem>>, vector<16x1xf32>
    %get3A_2 = arith.constant 0 : index
    %get3A_3 = arith.constant 0 : index
    %get3A_4 = vector.load %arg2[%get3A_2, %get3A_3] : memref<16x1xf32, #tpu.memory_space<vmem>>, vector<16x1xf32>
    %get3A_5 = arith.constant 0 : index
    %get3A_6 = arith.constant 0 : index
    %get3A_7 = vector.load %arg0[%get3A_5, %get3A_6] : memref<16x100352xf32, #tpu.memory_space<vmem>>, vector<16x100000xf32>
    %gt3A = vector.broadcast %get3A_4 : vector<16x1xf32> to vector<16x100000xf32>
    %gt3A_8 = arith.cmpf ogt, %get3A_7, %gt3A : vector<16x100000xf32>
    %sub3A = vector.broadcast %get3A_1 : vector<16x1xf32> to vector<16x100000xf32>
    %sub3A_9 = arith.subf %get3A_7, %sub3A : vector<16x100000xf32>
    %exp3A = math.exp %sub3A_9 : vector<16x100000xf32>
    %jit3A = arith.constant 0.000000e+00 : f32
    %broadcast_in_dim3A = vector.broadcast %jit3A : f32 to vector<16x100000xf32>
    %select_n3A = arith.select %gt3A_8, %exp3A, %broadcast_in_dim3A : vector<16x100000xi1>, vector<16x100000xf32>
    %reduce_sum3A = arith.constant dense<0.000000e+00> : vector<16xf32>
    %reduce_sum3A_10 = vector.multi_reduction <add>, %select_n3A, %reduce_sum3A [1] : vector<16x100000xf32> to vector<16xf32>
    %broadcast_in_dim3A_11 = vector.shape_cast %reduce_sum3A_10 : vector<16xf32> to vector<16x1xf32>
    %div3A = arith.constant 1.000000e+00 : f32
    %div3A_12 = vector.broadcast %div3A : f32 to vector<16x1xf32>
    %div3A_13 = arith.divf %div3A_12, %broadcast_in_dim3A_11 : vector<16x1xf32>
    %mul3A = vector.broadcast %div3A_13 : vector<16x1xf32> to vector<16x100000xf32>
    %mul3A_14 = arith.mulf %select_n3A, %mul3A : vector<16x100000xf32>
    %swap3A = arith.constant 0 : index
    %swap3A_15 = arith.constant 0 : index
    %swap3A_16 = vector.load %arg3[%swap3A, %swap3A_15] : memref<16x100000xf32, #tpu.memory_space<vmem>>, vector<16x100000xf32>
    tpu.vector_store %arg3[%swap3A, %swap3A_15], %mul3A_14 {strides = array<i32>} : memref<16x100000xf32, #tpu.memory_space<vmem>>, vector<16x100000xf32>,
    %jit3A_17 = arith.constant -1.000000e+09 : f32
    %broadcast_in_dim3A_18 = vector.broadcast %jit3A_17 : f32 to vector<16x100000xf32>
    %select_n3A_19 = arith.select %gt3A_8, %get3A_7, %broadcast_in_dim3A_18 : vector<16x100000xi1>, vector<16x100000xf32>
    %sub3A_20 = vector.broadcast %get3A_1 : vector<16x1xf32> to vector<16x100000xf32>
    %sub3A_21 = arith.subf %select_n3A_19, %sub3A_20 : vector<16x100000xf32>
    %log3A = math.log %broadcast_in_dim3A_11 : vector<16x1xf32>
    %sub3A_22 = vector.broadcast %log3A : vector<16x1xf32> to vector<16x100000xf32>
    %sub3A_23 = arith.subf %sub3A_21, %sub3A_22 : vector<16x100000xf32>
    %swap3A_24 = arith.constant 0 : index
    %swap3A_25 = arith.constant 0 : index
    %swap3A_26 = vector.load %arg4[%swap3A_24, %swap3A_25] : memref<16x100000xf32, #tpu.memory_space<vmem>>, vector<16x100000xf32>
    tpu.vector_store %arg4[%swap3A_24, %swap3A_25], %sub3A_23 {strides = array<i32>} : memref<16x100000xf32, #tpu.memory_space<vmem>>, vector<16x100000xf32>,
    return
  }
}

</mosaic_0001>

<sc_bundles>
// kernel: kernel.5.cloned.1.call-start
scs
__scs_entry_jumppad:
0x0: {  	(pc) =	sbr.rel $0x88, $3  }
0x1: {  	(tag) =	ssettag $0x0;
	lr =	simm.s32 $0x1  }
0x2: {  	[smem:$0x3F9C] =	sst lr;
	_ =	strace $0xD0000000  }
0x3: {  	_ = 	snop  }
0x4: {  	_ = 	snop  }
0x5: {  	_ = 	snop  }
0x6: {  	_ = 	snop  }
0x7: {  	_ = 	snop  }
__scs_overlays_trampoline_lowered:
0x8: {  	[smem:$0x3FAB] =	sst s0  }
0x9: {  	[smem:$0x3FAC] =	sst s1  }
0xa: {  	[smem:$0x3FAD] =	sst s2  }
0xb: {  	[smem:$0x3FAE] =	sst s3  }
0xc: {  	[smem:$0x3FAF] =	sst s4  }
0xd: {  	[smem:$0x3FB0] =	sst s5  }
0xe: {  	[smem:$0x3FB1] =	sst s6  }
0xf: {  	[smem:$0x3FB2] =	sst s7  }
0x10: {  	[smem:$0x3FB3] =	sst s8  }
0x11: {  	[smem:$0x3FB4] =	sst s9;
	s0 =	simm.s32 @!p0 $0x0  }
0x12: {  	s1 =	sld [smem:$0x3F9A];
	s0 =	simm.s32 @p0 $0x1  }
0x13: {  	[smem:$0x3FB5] =	sst s0;
	s0 =	simm.s32 @!p1 $0x0  }
0x14: {  	s2 =	sld [smem:$0x3F99];
	s0 =	simm.s32 @p1 $0x1  }
0x15: {  	[smem:$0x3FB6] =	sst s0;
	s0 =	simm.s32 @!p2 $0x0  }
0x16: {  	s3 =	sld [smem:$0x3FDB];
	s0 =	simm.s32 @p2 $0x1  }
0x17: {  	s4 =	simm.s32 $0x1BF5;
	[smem:$0x3FB8] =	sst s0  }
0x18: {  	s0 =	sld [smem:$0x3F9B];
	_ =	swait.ge [sflag:s4], $0x0  }
0x19: {  	s7 =	sld [smem:$0x3F9C]  }
0x1a: {  	s8 =	sadd.s32 $0xFFFFE003, lr  }
0x1b: {  	s9 =	sadd.s32 $0xFFFFFEF7, lr;
	s5 =	simm.s32 $0xFFFFFFFF;
	p2 =	slt.u32 s8, $0xFFFFF086  }
0x1c: {  	p1 =	slt.u32 s9, $0xF7A;
	s5 =	simm.s32 @!p2 $0x0  }
0x1d: {  	s5 =	simm.s32 @p1 $0x1;
	p0 =	seq.s32 s7, s2  }
0x1e: {  	s7 =	smul.u32 @!p0 $0xF7A, s2;
	p2 =	seq.s32 @!p0 s5, $0x0  }
0x1f: {  	s9 =	smul.u32 $0xF7A, s1;
	s8 =	simm.s32 @!p0 $0x1BF5;
	p2 =	por !p2, p0  }
0x20: {  	[sflag:s8] =	ssyncset.s32 @!p0 $0xFFFFF086;
	s6 =	sadd.s32 @!p0 s3, s7;
	s7 =	simm.s32 @!p0 $0x108  }
0x21: {  	s3 =	sadd.s32 s3, s9;
	s6 =	sadd.s32 @!p0 $0x88, s6;
	s7 =	simm.s32 @p2 $0x1082  }
0x22: {  	[simem:s7], [sflag:s8] =	dma.local @!p0 [hbm:s6], $0xF7A  }
0x23: {  	s9 =	sor.u32 $0xD0000000, s2;
	s6 =	simm.s32 $0x108;
	_ =	swait.ge @!p0 [sflag:s8], $0x0  }
0x24: {  	s3 =	sadd.s32 $0x88, s3;
	s6 =	simm.s32 @!p1 $0x1082;
	[sflag:s4] =	ssyncset.s32 $0xFFFFF086  }
0x25: {  	[simem:s6], [sflag:s4] =	dma.local [hbm:s3], $0xF7A  }
0x26: {  	[smem:$0x3F9C] =	sst s1;
	(tag) =	ssettag s2;
	_ =	strace s9  }
0x27: {  	s1 =	sld [smem:$0x3FAC]  }
0x28: {  	s2 =	sld [smem:$0x3FAD]  }
0x29: {  	s4 =	sld [smem:$0x3FAF]  }
0x2a: {  	p0 =	seq.s32 s5, $0x0;
	s5 =	sld [smem:$0x3FB0]  }
0x2b: {  	s6 =	sld [smem:$0x3FB1]  }
0x2c: {  	s7 =	sld [smem:$0x3FB2]  }
0x2d: {  	s3 =	simm.s32 $0x108;
	s8 =	sld [smem:$0x3FB3]  }
0x2e: {  	s3 =	simm.s32 @!p0 $0x1082;
	s9 =	sld [smem:$0x3FB4]  }
0x2f: {  	lr =	sadd.s32 s0, s3;
	s0 =	sld [smem:$0x3FAB]  }
0x30: {  	s3 =	sld [smem:$0x3FAE]  }
0x31: {  	[smem:$0x3FB7] =	sst s10  }
0x32: {  	s10 =	sld [smem:$0x3FB5];
	_ =	sdelay $0x3  }
0x33: {  	p0 =	seq.s32 s10, $0x1;
	s10 =	sld [smem:$0x3FB7];
	_ =	sdelay $0x3  }
0x34: {  	[smem:$0x3FB7] =	sst s10  }
0x35: {  	s10 =	sld [smem:$0x3FB6];
	_ =	sdelay $0x3  }
0x36: {  	p1 =	seq.s32 s10, $0x1;
	s10 =	sld [smem:$0x3FB7];
	_ =	sdelay $0x3  }
0x37: {  	[smem:$0x3FB7] =	sst s10  }
0x38: {  	s10 =	sld [smem:$0x3FB8]  }
0x39: {  	_ = 	snop;
	(pc) =	sbr.ind lr, $3  }
0x3a: {  	_ = 	snop  }
0x3b: {  	_ = 	snop  }
0x3c: {  	p2 =	seq.s32 s10, $0x1;
	s10 =	sld [smem:$0x3FB7]  }
0x3d: {  	_ =	shalt  }
0x3e: {  	_ =	shalt  }
0x3f: {  	_ =	shalt  }
0x40: {  	_ =	shalt  }
0x41: {  	_ =	shalt  }
0x42: {  	_ =	shalt  }
0x43: {  	_ =	shalt  }
0x44: {  	_ =	shalt  }
0x45: {  	_ =	shalt  }
0x46: {  	_ =	shalt  }
0x47: {  	_ =	shalt  }
0x48: {  	_ =	shalt  }
0x49: {  	_ =	shalt  }
0x4a: {  	_ =	shalt  }
0x4b: {  	_ =	shalt  }
0x4c: {  	_ =	shalt  }
0x4d: {  	_ =	shalt  }
0x4e: {  	_ =	shalt  }
0x4f: {  	_ =	shalt  }
0x50: {  	_ =	shalt  }
0x51: {  	_ =	shalt  }
0x52: {  	_ =	shalt  }
0x53: {  	_ =	shalt  }
0x54: {  	_ =	shalt  }
0x55: {  	_ =	shalt  }
0x56: {  	_ =	shalt  }
0x57: {  	_ =	shalt  }
0x58: {  	_ =	shalt  }
0x59: {  	_ =	shalt  }
0x5a: {  	_ =	shalt  }
0x5b: {  	_ =	shalt  }
0x5c: {  	_ =	shalt  }
0x5d: {  	_ =	shalt  }
0x5e: {  	_ =	shalt  }
0x5f: {  	_ =	shalt  }
0x60: {  	_ =	shalt  }
0x61: {  	_ =	shalt  }
0x62: {  	_ =	shalt  }
0x63: {  	_ =	shalt  }
0x64: {  	_ =	shalt  }
0x65: {  	_ =	shalt  }
0x66: {  	_ =	shalt  }
0x67: {  	_ =	shalt  }
0x68: {  	_ =	shalt  }
0x69: {  	_ =	shalt  }
0x6a: {  	_ =	shalt  }
0x6b: {  	_ =	shalt  }
0x6c: {  	_ =	shalt  }
0x6d: {  	_ =	shalt  }
0x6e: {  	_ =	shalt  }
0x6f: {  	_ =	shalt  }
0x70: {  	_ =	shalt  }
0x71: {  	_ =	shalt  }
0x72: {  	_ =	shalt  }
0x73: {  	_ =	shalt  }
0x74: {  	_ =	shalt  }
0x75: {  	_ =	shalt  }
0x76: {  	_ =	shalt  }
0x77: {  	_ =	shalt  }
0x78: {  	_ =	shalt  }
0x79: {  	_ =	shalt  }
0x7a: {  	_ =	shalt  }
0x7b: {  	_ =	shalt  }
0x7c: {  	_ =	shalt  }
0x7d: {  	_ =	shalt  }
0x7e: {  	_ =	shalt  }
0x7f: {  	_ =	shalt  }
0x80: {  	_ =	shalt  }
0x81: {  	_ =	shalt  }
0x82: {  	_ =	shalt  }
0x83: {  	_ =	shalt  }
0x84: {  	_ =	shalt  }
0x85: {  	_ =	shalt  }
0x86: {  	_ =	shalt  }
0x87: {  	_ =	shalt  }
.Lfunc_end0:
.L_simem_size_0:
called_computation_lowered:
.L_overlay_start_0:
0x88: {  	s2 =	sld [smem:$0x3FD9]  }
0x89: {  	s3 =	sld [smem:$0x3FFE];
	_ =	sdelay $0x1  }
0x8a: {  	s1 =	srdreg.scid  }
0x8b: {  	s0 =	sand.u32 $0x1, s1  }
0x8c: {  	s14 =	sshll.u32 s0, $0xA;
	s2 =	sadd.s32 s3, s2  }
0x8d: {  	s2 =	sadd.s32 s2, s14  }
0x8e: {  	[smem:$0x3FC3] =	sst s2  }
0x8f: {  	_ = 	snop  }
0x90: {  	s2 =	sld [smem:$0x3FD0];
	_ =	sdelay $0x2  }
0x91: {  	s4 =	simm.s32 $0xA;
	s5 =	simm.s32 $0x10;
	s15 =	sld [smem:$0x3FC6]  }
0x92: {  	[smem:s5], [sflag:s4] =	dma.local [hbm:s2], $0x1  }
0x93: {  	_ =	swait.eq [sflag:s4], $0x1  }
0x94: {  	[sflag:s4] =	ssyncset.done $0x0  }
0x95: {  	s16 =	sld [smem:$0x11];
	[sflag:s4] =	ssyncadd.s32 $0xFFFFFFFF  }
0x96: {  	s17 =	sld [smem:$0x12];
	(tm) =	ssettm $0x1  }
0x97: {  	s18 =	sld [smem:$0x3FFB];
	_ =	sdelay $0x3  }
0x98: {  	_ =	strace s18  }
0x99: {  	s5 =	sld [smem:$0x3FFC];
	_ =	sdelay $0x3  }
0x9a: {  	_ =	strace s5  }
0x9b: {  	s5 =	sld [smem:$0x3FFD];
	_ =	sdelay $0x3  }
0x9c: {  	_ =	strace s5  }
0x9d: {  	_ =	strace $0x8FFFFFFF  }
0x9e: {  	s19 =	sld [smem:$0x3FDB];
	_ =	sdelay $0x1  }
0x9f: {  	s6 =	simm.s32 $_scs_section_size  }
0xa0: {  	s7 =	simm.s32 $_size__tile_overlayer_lowered;
	s8 =	simm.s32 $_tile_overlayer_lowered  }
0xa1: {  	s22 =	simm.s32 $0x1BFF;
	s21 =	sshll.u32 s8, $0x1;
	s5 =	sadd.s32 s6, s19  }
0xa2: {  	s9 =	simm.s32 $0x0;
	s20 =	sshll.u32 s7, $0x1;
	s7 =	sadd.s32 s21, s5  }
0xa3: {  	[timem:s9], [sflag:s22] =	dma.local [hbm:s7], s20  }
0xa4: {  	_ =	swait.ge [sflag:s22], s20  }
0xa5: {  	s6 =	ssub.s32 $0x0, s20;
	[sflag:s22] =	ssyncset.done $0x0  }
0xa6: {  	[sflag:s22] =	ssyncadd.s32 s6;
	_ =	sdelay $0x1  }
0xa7: {  	s23 =	simm.s32 $0x1B8B  }
0xa8: {  	_ =	swait.ge [sflag:s23], $0x1  }
0xa9: {  	[sflag:s23] =	ssyncset.done $0x0  }
0xaa: {  	s25 =	simm.s32 $0x1B8E;
	s24 =	sld [smem:$0x3FFE];
	[sflag:s23] =	ssyncadd.s32 $0xFFFFFFFF  }
0xab: {  	s26 =	simm.s32 $execute0_lowered;
	[smem:$0x3FD2] =	sst s25  }
0xac: {  	s7 =	sshll.u32 s26, $0x1;
	_ =	strace $0x80000046;
	[dreg:$0x1] =	wrdreg $0xFFFFFFFF  }
0xad: {  	s28 =	simm.s32 $_size_execute0_lowered;
	s5 =	sadd.s32 s5, s7;
	[dreg:$0x0] =	wrdreg $0x0  }
0xae: {  	s7 =	sshll.u32 s28, $0x1;
	[dreg:$0x2] =	wrdreg s5  }
0xaf: {  	[dreg:$0x3] =	wrdreg s7  }
0xb0: {  	[dreg:$0x4] =	wrdreg $0xC0  }
0xb1: {  	_ =	task [dreg:s9], $0x5FFFF  }
0xb2: {  	[dreg:$0x1] =	wrdreg $0xFFFFFFFF  }
0xb3: {  	[dreg:$0x0] =	wrdreg $0x60  }
0xb4: {  	[dreg:$0x2] =	wrdreg s24  }
0xb5: {  	[dreg:$0x3] =	wrdreg s16  }
0xb6: {  	[dreg:$0x4] =	wrdreg s15  }
0xb7: {  	[dreg:$0x5] =	wrdreg s17  }
0xb8: {  	[dreg:$0x6] =	wrdreg $0x9  }
0xb9: {  	_ =	task.clear_ibuf [dreg:s9], $0x7FFFF;
	_ =	strace $0x90000046  }
0xba: {  	s29 =	simm.s32 $0x9;
	_ =	strace $0x80000048  }
0xbb: {  	_ =	swait.ge [sflag:s29], $0x1  }
0xbc: {  	[sflag:s29] =	ssyncadd.s32 $0xFFFFFFFF  }
0xbd: {  	_ =	strace $0x90000048  }
0xbe: {  	_ =	sfence  }
0xbf: {  	s30 =	sld [smem:$0x0];
	_ =	sdelay $0x2  }
0xc0: {  	s31 =	sshll.u32 s1, $0xD;
	s1 =	sshrl.u32 s1, $0x2  }
0xc1: {  	s3 =	sand.u32 $0x4000, s31;
	s1 =	sadd.s32 s1, s30  }
0xc2: {  	s0 =	sor.u32 s3, s0;
	s1 =	sshll.u32 s1, $0x11  }
0xc3: {  	s0 =	sor.u32 s1, s0  }
0xc4: {  	s0 =	sadd.s32 $0x8F2B, s0  }
0xc5: {  	[sflag:s0] =	ssyncadd.remote.s32 $0x1  }
0xc6: {  	_ =	sfence.sel $0xFFFF  }
0xc7: {  	[dreg:$0x0] =	wrdreg $0xFFFFFFFF;
	(pc) =	sbr.abs _section_cstart, $3  }
0xc8: {  	[dreg:$0x1] =	wrdreg $0xFFFFFFFF  }
0xc9: {  	_ =	task.clear_ibuf [dreg:s9], $0x2FFFF;
	_ =	strace $0x9FFFFFFF  }
0xca: {  	(tm) =	ssettm $0x7FFFFFFF  }
0xcb: {  	_ =	shalt  }
tec
execute0_lowered:
.L_overlay_start_1:
0x0: {  	(tag) =	ssettag $0x1  }
0x1: {  	s1 =	stileid.u32  }
0x2: {  	s6 =	sand.u32 $0x1, s1  }
0x3: {  	s2 =	rddreg [dreg:$0x0];
	p0 =	seq.s32 s6, $0x1  }
.Ltmp0:
0x4: {  	s3 =	rddreg [dreg:$0x1];
	(pc) =	sbr.rel @p0 .LBB2_26-.Ltmp0, $4  }
0x5: {  	s4 =	rddreg [dreg:$0x2]  }
0x6: {  	s7 =	rddreg [dreg:$0x3];
	s5 =	simm.s32 $0x0  }
0x7: {  	[smem:$0x7FF] =	sst s5  }
0x8: {  	s0 =	rddreg [dreg:$0x4];
	_ =	strace $0x80000047  }
0x9: {  	s6 =	srdreg.scid  }
0xa: {  	s9 =	sshrl.u32 s1, $0x1;
	s31 =	sadd.s32 $0x31600, s2;
	s14 =	simm.s32 $0x1C980  }
0xb: {  	s15 =	simm.s32 $0x18800;
	s16 =	simm.s32 $0x1A800;
	s6 =	sand.u32 $0x1, s6  }
0xc: {  	s17 =	simm.s32 $0x1CA00;
	s18 =	simm.s32 $0x0;
	s8 =	sshll.u32 s6, $0x3  }
.Ltmp1:
0xd: {  	s30 =	ssub.s32 $0x2, s6;
	s13 =	sor.u32 s9, s8;
	(pc) =	sbr.rel .LBB2_2-.Ltmp1, $4  }
0xe: {  	s6 =	sadd.s32 $0x31400, s2;
	s10 =	sshrl.u32 s30, $0x1;
	s11 =	smul.u32 $0x3100, s13  }
0xf: {  	s12 =	sshll.u32 s13, $0x1;
	s10 =	ssub.s32 s30, s10;
	v0 =	vmov s13;
	s13 =	simm.s32 $0x1C900  }
0x10: {  	v1 =	vlaneseq.u32;
	s7 =	sadd.s32 s7, s12;
	s9 =	smax.u32 s10, $0x1;
	s10 =	simm.s32 $0x1  }
0x11: {  	v2 =	vimm.f32 $0.0e+00;
	v3 =	vimm.f32 $1.000000000e+00;
	v4 =	vor.u32 $0x80000000, v1;
	s12 =	simm.s32 $0x1C880;
	s8 =	sadd.s32 s31, s11;
	s11 =	simm.s32 $0x1C800  }
.LBB2_25:
0x12: {  	v5 =	vxor.u32 $0x7FFFFFFF, v10;
	vm0 =	vlt.s32 v10, $0x0;
	s18 =	sadd.s32 $0x1, s18  }
0x13: {  	v5 =	vsel vm0, v5, v10;
	p0 =	sne.s32 s18, s9  }
.Ltmp2:
0x14: {  	[tilespmem:$0x1CA00] =	vst v5;
	(pc) =	sbr.rel @!p0 .LBB2_26-.Ltmp2, $4  }
0x15: {  	[hbm4b:s7+s5] =	stream.linear.scatter [tilespmem:s17], [sflag:$0x1], $0x10, $0x38;
	[tilespmem:$0x1CA80] =	vst v63  }
0x16: {  	_ =	swait.ge [sflag:s10], $0x10  }
0x17: {  	[sflag:s10] =	ssyncset.done $0x0  }
0x18: {  	[sflag:s10] =	ssyncadd.s32 $0xFFFFFFF0  }
.LBB2_2:
0x19: {  	s19 =	simm.s32 $0x0  }
0x1a: {  	[tilespmem:s19], [sflag:$0x1] =	stream.linear.gather [hbm4b:s8+s19], $0x18800, $0x38;
	[tilespmem:$0x1CA80] =	vst v63  }
0x1b: {  	_ =	swait.ge [sflag:s10], $0x18800  }
0x1c: {  	[sflag:s10] =	ssyncset.done $0x0  }
0x1d: {  	[sflag:s10] =	ssyncadd.s32 $0xFFFE7800  }
0x1e: {  	[tilespmem:s11], [sflag:$0x1] =	stream.linear.gather [hbm4b:s3+s19], $0x80, $0x38;
	[tilespmem:$0x1CA80] =	vst v63  }
0x1f: {  	_ =	swait.ge [sflag:s10], $0x80  }
0x20: {  	[sflag:s10] =	ssyncset.done $0x0  }
0x21: {  	[sflag:s10] =	ssyncadd.s32 $0xFFFFFF80  }
0x22: {  	[tilespmem:s12], [sflag:$0x1] =	stream.linear.gather [hbm4b:s6+s19], $0x80, $0x38;
	[tilespmem:$0x1CA80] =	vst v63  }
0x23: {  	_ =	swait.ge [sflag:s10], $0x80  }
0x24: {  	[sflag:s10] =	ssyncset.done $0x0  }
0x25: {  	[sflag:s10] =	ssyncadd.s32 $0xFFFFFF80  }
0x26: {  	[tilespmem:s13], [sflag:$0x1] =	stream.linear.gather [hbm4b:s4+s19], $0x80, $0x38;
	[tilespmem:$0x1CA80] =	vst v63  }
0x27: {  	_ =	swait.ge [sflag:s10], $0x80  }
0x28: {  	[sflag:s10] =	ssyncset.done $0x0  }
0x29: {  	[sflag:s10] =	ssyncadd.s32 $0xFFFFFF80  }
0x2a: {  	[tilespmem:s14], [sflag:$0x1] =	stream.linear.gather [hbm4b:s2+s19], $0x80, $0x38;
	[tilespmem:$0x1CA80] =	vst v63  }
0x2b: {  	_ =	swait.ge [sflag:s10], $0x80  }
0x2c: {  	[sflag:s10] =	ssyncset.done $0x0  }
0x2d: {  	[sflag:s10] =	ssyncadd.s32 $0xFFFFFF80  }
0x2e: {  	v6 =	vld.idx.msk [tilespmem:v0+s14+$0x0], $0xffff  }
0x2f: {  	v5 =	vld.idx.msk [tilespmem:v0+s11+$0x0], $0xffff  }
0x30: {  	v7 =	vld.idx.msk [tilespmem:v0+s13+$0x0], $0xffff  }
0x31: {  	s20 =	simm.s32 $0x0;
	s19 =	simm.s32 $0x40;
	v8 =	vld.idx.msk [tilespmem:v0+s12+$0x0], $0xffff  }
.LBB2_3:
0x32: {  	p0 =	sne.s32 s19, $0x7FC0;
	[tilespmem:s20+$0x18800] =	vst v2;
	s21 =	smov.u32 s19;
	s19 =	sadd.s32 $0x40, s19  }
.Ltmp3:
0x33: {  	[tilespmem:s20+$0x1A800] =	vst v2;
	(pc) =	sbr.rel @p0 .LBB2_3-.Ltmp3, $2  }
0x34: {  	_ =	sdelay $0x2  }
0x35: {  	s20 =	sshra.s32 s21, $0x2  }
0x36: {  	[tilespmem:s20+$0x18800] =	vst v2  }
0x37: {  	[tilespmem:s20+$0x1A800] =	vst v2;
	s19 =	simm.s32 $0x0  }
0x38: {  	v9 =	vld [tilespmem:s19+$0x0];
	_ =	sdelay $0x4  }
0x39: {  	v10 =	vsub.f32 v9, v5;
	_ =	sdelay $0x1  }
0x3a: {  	v10 =	vmul.f32 $1.442695020e+00, v10;
	_ =	sdelay $0x1  }
0x3b: {  	(erf) = vpow2.f32 v10  }
0x3c: {  	vm0 =	vlt.s32 v9, $0x0;
	v10 =	vxor.u32 $0x7FFFFFFF, v9  }
0x3d: {  	v9 =	vsel vm0, v10, v9  }
0x3e: {  	v9 =	vshra.s32 v9, $0x13  }
0x3f: {  	v9 =	vsub.s32 $0xFFF, v9;
	_ =	sdelay $0x4  }
0x40: {  	s20 =	simm.s32 $0x80;
	s19 =	simm.s32 $0x40;
	[tilespmem:v9+s15+$0x0] =	vst.idx.add.f32.msk $0xffff, v3;
	v10 =	vpop (erf)  }
.LBB2_5:
0x41: {  	p0 =	sne.s32 s20, $0x61FC0  }
0x42: {  	s21 =	sshra.s32 s19, $0x2;
	[tilespmem:v9+s16+$0x0] =	vst.idx.add.f32.msk $0xffff, v10;
	s19 =	smov.u32 s20;
	s20 =	sadd.s32 $0x40, s20  }
0x43: {  	v9 =	vld [tilespmem:s21+$0x0];
	_ =	sdelay $0x4  }
0x44: {  	v10 =	vxor.u32 $0x7FFFFFFF, v9;
	vm0 =	vlt.s32 v9, $0x0;
	v11 =	vsub.f32 v9, v5  }
0x45: {  	v9 =	vsel vm0, v10, v9  }
0x46: {  	v9 =	vshra.s32 v9, $0x13;
	v10 =	vmul.f32 $1.442695020e+00, v11;
	_ =	sdelay $0x1  }
0x47: {  	(erf) = vpow2.f32 v10;
	_ =	sdelay $0x3  }
0x48: {  	v9 =	vsub.s32 $0xFFF, v9  }
.Ltmp4:
0x49: {  	(pc) =	sbr.rel @p0 .LBB2_5-.Ltmp4, $2  }
0x4a: {  	_ =	sdelay $0x2  }
0x4b: {  	[tilespmem:v9+s15+$0x0] =	vst.idx.add.f32.msk $0xffff, v3;
	v10 =	vpop (erf)  }
0x4c: {  	_ =	sdelay $0x3  }
0x4d: {  	s19 =	sshra.s32 s19, $0x2;
	[tilespmem:v9+s16+$0x0] =	vst.idx.add.f32.msk $0xffff, v10  }
0x4e: {  	v9 =	vld [tilespmem:s19+$0x0];
	_ =	sdelay $0x4  }
0x4f: {  	v10 =	vsub.f32 v9, v5;
	_ =	sdelay $0x1  }
0x50: {  	v10 =	vmul.f32 $1.442695020e+00, v10;
	_ =	sdelay $0x1  }
0x51: {  	(erf) = vpow2.f32 v10  }
0x52: {  	vm0 =	vlt.s32 v9, $0x0;
	v10 =	vxor.u32 $0x7FFFFFFF, v9  }
0x53: {  	v9 =	vsel vm0, v10, v9  }
0x54: {  	v9 =	vshra.s32 v9, $0x13  }
0x55: {  	v9 =	vsub.s32 $0xFFF, v9;
	_ =	sdelay $0x4  }
0x56: {  	[tilespmem:v9+s15+$0x0] =	vst.idx.add.f32.msk $0xffff, v3;
	v10 =	vpop (erf)  }
0x57: {  	s31 =	simm.s32 $0x18800;
	[tilespmem:v9+s16+$0x0] =	vst.idx.add.f32.msk $0xffff, v10  }
0x58: {  	s20 =	simm.s32 $0x1A800;
	v9 =	vld [tilespmem:s31+$0x0]  }
0x59: {  	v10 =	vld [tilespmem:s20+$0x0];
	_ =	sdelay $0x3  }
0x5a: {  	(xrf2) =	vadd.scan.msk.f32 $0xffff, v9  }
0x5b: {  	(xrf2) =	vadd.scan.msk.f32 $0xffff, v10;
	_ =	sdelay $0x1  }
0x5c: {  	s20 =	simm.s32 $0x18810  }
0x5d: {  	s21 =	simm.s32 $0x1A810;
	v11 =	vld [tilespmem:s20+$0x0]  }
0x5e: {  	v12 =	vld [tilespmem:s21+$0x0];
	_ =	sdelay $0x3  }
0x5f: {  	s22 =	simm.s32 $0x18820;
	(xrf2) =	vadd.scan.msk.f32 $0xffff, v11  }
0x60: {  	v14 =	vld [tilespmem:s22+$0x0];
	(xrf2) =	vadd.scan.msk.f32 $0xffff, v12;
	v13, _, _ =	vpop (xrf2)  }
0x61: {  	v15, _, _ =	vpop (xrf2);
	(xrf0) =	vmax.scan.msk.f32 $0xffff, v13;
	v9 =	vsub.f32 v13, v9  }
0x62: {  	v13 =	vimm.f32 $0.0e+00;
	(xrf0) =	vmax.scan.msk.f32 $0xffff, v15  }
0x63: {  	s23 =	simm.s32 $0x1A820;
	v7 =	vmul.f32 v8, v7;
	v10 =	vsub.f32 v15, v10;
	v8 =	vadd.f32 v9, v13  }
0x64: {  	v15 =	vld [tilespmem:s23+$0x0]  }
0x65: {  	(xrf2) =	vadd.scan.msk.f32 $0xffff, v14;
	v9 =	vadd.f32 v10, v13;
	_ =	sdelay $0x1  }
0x66: {  	vm1 =	vlt.f32 v8, v6;
	vm11 =	vle.f32 v9, v7;
	v8, _, _ =	vpop (xrf0)  }
0x67: {  	s24 =	simm.s32 $0x0;
	vm1 =	vmneg vm1;
	vm0 =	vmneg vm11;
	v17, _, _ =	vpop (xrf0);
	v8 =	vbroadcast v8, $0xF  }
0x68: {  	v10, _, _ =	vpop (xrf2);
	v9 =	vor.u32 s24, v4;
	(xrf2) =	vadd.scan.msk.f32 $0xffff, v15;
	vm0 =	vmor vm1, vm0;
	v17 =	vbroadcast v17, $0xF  }
0x69: {  	s25 =	simm.s32 $0x18830;
	v18, _, _ =	vpop (xrf2);
	(xrf0) =	vmax.scan.msk.f32 $0xffff, v10;
	v10 =	vsub.f32 v10, v11;
	v9 =	vnsel vm0, $0xFFFFFFFF, v9;
	v8 =	vadd.f32 v8, v13  }
0x6a: {  	s26 =	simm.s32 $0x1A830;
	v16 =	vld [tilespmem:s25+$0x0];
	v11 =	vsub.f32 v18, v12;
	(xrf0) =	vmin.scan.msk.u32 $0xffff, v9;
	v12 =	vadd.f32 v17, v13  }
0x6b: {  	(xrf0) =	vmax.scan.msk.f32 $0xffff, v18;
	v13 =	vld [tilespmem:s26+$0x0];
	v9 =	vadd.f32 v10, v8  }
0x6c: {  	v10 =	vadd.f32 v11, v12;
	_ =	sdelay $0x1  }
0x6d: {  	v11, _, _ =	vpop (xrf2);
	vm13 =	vlt.f32 v9, v6;
	vm12 =	vle.f32 v10, v7  }
0x6e: {  	s28 =	simm.s32 $0x10;
	(xrf2) =	vadd.scan.msk.f32 $0xffff, v16;
	vm1 =	vmneg vm13;
	v9, _, _ =	vpop (xrf0);
	vm0 =	vmneg vm12  }
0x6f: {  	s29 =	simm.s32 $0x18840;
	v10 =	vor.u32 s28, v4;
	(xrf2) =	vadd.scan.msk.f32 $0xffff, v13;
	v17, _, _ =	vpop (xrf0);
	vm0 =	vmor vm1, vm0  }
0x70: {  	(xrf0) =	vmax.scan.msk.f32 $0xffff, v11;
	v20 =	vbroadcast v9, $0xF;
	v9 =	vld [tilespmem:s29+$0x0];
	v18, _, _ =	vpop (xrf0);
	v10 =	vnsel vm0, $0xFFFFFFFF, v10;
	(v2sf) =	vpush v17, $0xF  }
0x71: {  	v19, _, _ =	vpop (xrf2);
	v18 =	vbroadcast v18, $0xF;
	(xrf0) =	vmin.scan.msk.u32 $0xffff, v10  }
0x72: {  	v11 =	vsub.f32 v11, v14;
	v14 =	vsub.f32 v19, v15  }
0x73: {  	s30 =	simm.s32 $0x1A840;
	v8 =	vadd.f32 v20, v8;
	(xrf0) =	vmax.scan.msk.f32 $0xffff, v19;
	v15 =	vadd.f32 v18, v12  }
0x74: {  	v10 =	vld [tilespmem:s30+$0x0]  }
0x75: {  	v11 =	vadd.f32 v11, v8;
	(xrf2) =	vadd.scan.msk.f32 $0xffff, v9;
	v12 =	vadd.f32 v14, v15  }
0x76: {  	v18, _, _ =	vpop (xrf0)  }
0x77: {  	s21 =	simm.s32 $0x18850;
	vm15 =	vlt.f32 v11, v6;
	vm14 =	vle.f32 v12, v7;
	v17, _, _ =	vpop (xrf0)  }
0x78: {  	s31 =	simm.s32 $0x20;
	v14, _, _ =	vpop (xrf2);
	v11 =	vld [tilespmem:s21+$0x0];
	vm1 =	vmneg vm15;
	vm0 =	vmneg vm14;
	(v2sf) =	vpush v17, $0xF  }
0x79: {  	(xrf2) =	vadd.scan.msk.f32 $0xffff, v10;
	v12 =	vor.u32 s31, v4;
	v19, _, _ =	vpop (xrf0);
	vm0 =	vmor vm1, vm0  }
0x7a: {  	v18 =	vbroadcast v18, $0xF;
	(xrf0) =	vmax.scan.msk.f32 $0xffff, v14;
	v63, _, _ =	vpop (xrf2);
	v19 =	vbroadcast v19, $0xF;
	v12 =	vnsel vm0, $0xFFFFFFFF, v12  }
0x7b: {  	v16 =	vsub.f32 v14, v16;
	v21 =	vsub.f32 v63, v13;
	(xrf0) =	vmin.scan.msk.u32 $0xffff, v12  }
0x7c: {  	s23 =	simm.s32 $0x1A850;
	v12 =	vadd.f32 v18, v8;
	v13 =	vadd.f32 v19, v15;
	(xrf0) =	vmax.scan.msk.f32 $0xffff, v63  }
0x7d: {  	s19 =	simm.s32 $0x50;
	v14 =	vld [tilespmem:s23+$0x0];
	(xrf2) =	vadd.scan.msk.f32 $0xffff, v11  }
0x7e: {  	s22 =	simm.s32 $0x30;
	s20 =	simm.s32 $0x40;
	s24 =	simm.s32 $0x60;
	v8 =	vimm.s32 $0x7FFFFFFF;
	v15 =	vadd.f32 v16, v12;
	v16 =	vadd.f32 v21, v13  }
.LBB2_7:
0x7f: {  	p0 =	sne.s32 s24, $0x1FF0;
	v17, _, _ =	vpop (xrf2);
	s25 =	spop (v2sf)  }
0x80: {  	vm0 =	vle.f32 v16, v7;
	vm1 =	vlt.f32 v15, v6;
	v15 =	vor.u32 s22, v4;
	v16, _, _ =	vpop (xrf0);
	s25 =	sxor.u32 $0x80000000, s25;
	s22 =	smov.u32 s20;
	s20 =	smov.u32 s19  }
0x81: {  	s21 =	sadd.s32 $0x10, s21;
	s19 =	smov.u32 s24;
	vm0 =	vmneg vm0;
	vm1 =	vmneg vm1;
	v18, _, _ =	vpop (xrf0);
	vm2 =	vlt.s32 v8, s25  }
0x82: {  	v19 =	vld [tilespmem:s21+$0x0];
	(xrf2) =	vadd.scan.msk.f32 $0xffff, v14;
	vm0 =	vmor vm1, vm0;
	v20, _, _ =	vpop (xrf0);
	(v2sf) =	vpush v18, $0xF;
	v8 =	vnsel vm2, s25, v8  }
.Ltmp5:
0x83: {  	v16 =	vbroadcast v16, $0xF;
	v18, _, _ =	vpop (xrf2);
	(xrf0) =	vmax.scan.msk.f32 $0xffff, v17;
	v15 =	vnsel vm0, $0xFFFFFFFF, v15;
	v20 =	vbroadcast v20, $0xF;
	(pc) =	sbr.rel @p0 .LBB2_7-.Ltmp5, $4  }
0x84: {  	v17 =	vsub.f32 v17, v9;
	v9 =	vmovc v11;
	v21 =	vsub.f32 v18, v10;
	(xrf0) =	vmin.scan.msk.u32 $0xffff, v15;
	v10 =	vmov v14  }
0x85: {  	s23 =	sadd.s32 $0x10, s23;
	v12 =	vadd.f32 v16, v12;
	(xrf0) =	vmax.scan.msk.f32 $0xffff, v18;
	v13 =	vadd.f32 v20, v13  }
0x86: {  	v14 =	vld [tilespmem:s23+$0x0]  }
0x87: {  	s24 =	sadd.s32 $0x10, s24;
	v15 =	vadd.f32 v17, v12;
	(xrf2) =	vadd.scan.msk.f32 $0xffff, v19;
	v16 =	vadd.f32 v21, v13;
	v11 =	vmov v19  }
0x88: {  	_ = 	snop  }
0x89: {  	vm0 =	vle.f32 v16, v7;
	vm1 =	vlt.f32 v15, v6  }
0x8a: {  	v15, _, _ =	vpop (xrf2);
	vm0 =	vmneg vm0;
	vm1 =	vmneg vm1  }
0x8b: {  	v59 =	vor.u32 s22, v4;
	(xrf0) =	vmax.scan.msk.f32 $0xffff, v15;
	vm0 =	vmor vm1, vm0  }
0x8c: {  	(xrf2) =	vadd.scan.msk.f32 $0xffff, v14;
	v16 =	vnsel vm0, $0xFFFFFFFF, v59  }
0x8d: {  	v17, _, _ =	vpop (xrf2);
	(xrf0) =	vmin.scan.msk.u32 $0xffff, v16  }
0x8e: {  	v60, _, _ =	vpop (xrf0);
	(xrf0) =	vmax.scan.msk.f32 $0xffff, v17  }
0x8f: {  	v18, _, _ =	vpop (xrf0)  }
0x90: {  	v19, _, _ =	vpop (xrf0)  }
0x91: {  	v9 =	vsub.f32 v15, v9;
	v19 =	vbroadcast v19, $0xF;
	v16 =	vbroadcast v60, $0xF;
	v15, _, _ =	vpop (xrf0)  }
0x92: {  	v10 =	vsub.f32 v17, v10;
	v15 =	vbroadcast v15, $0xF  }
0x93: {  	v13 =	vadd.f32 v19, v13;
	v12 =	vadd.f32 v16, v12;
	v61, _, _ =	vpop (xrf0)  }
0x94: {  	v62, _, _ =	vpop (xrf0)  }
0x95: {  	v10 =	vadd.f32 v10, v13;
	v9 =	vadd.f32 v9, v12;
	v63, _, _ =	vpop (xrf2);
	v17 =	vbroadcast v62, $0xF  }
0x96: {  	v11 =	vsub.f32 v63, v11;
	v12 =	vadd.f32 v15, v12;
	v15, _, _ =	vpop (xrf2)  }
0x97: {  	v14 =	vsub.f32 v15, v14;
	v13 =	vadd.f32 v17, v13  }
0x98: {  	vm0 =	vle.f32 v10, v7  }
0x99: {  	vm1 =	vlt.f32 v9, v6;
	v9 =	vadd.f32 v11, v12;
	v10 =	vadd.f32 v14, v13  }
0x9a: {  	vm0 =	vmneg vm0;
	vm1 =	vmneg vm1;
	v11 =	vor.u32 s20, v4  }
0x9b: {  	vm0 =	vmor vm1, vm0;
	vm2 =	vlt.f32 v9, v6;
	vm1 =	vle.f32 v10, v7  }
0x9c: {  	(xrf0) =	vmax.scan.msk.f32 $0xffff, v63;
	v9 =	vnsel vm0, $0xFFFFFFFF, v11;
	vm0 =	vmneg vm1;
	vm1 =	vmneg vm2  }
0x9d: {  	(xrf0) =	vmin.scan.msk.u32 $0xffff, v9;
	v9 =	vor.u32 s19, v4;
	vm0 =	vmor vm1, vm0  }
0x9e: {  	(xrf0) =	vmax.scan.msk.f32 $0xffff, v15;
	v9 =	vnsel vm0, $0xFFFFFFFF, v9  }
0x9f: {  	(xrf0) =	vmin.scan.msk.u32 $0xffff, v9  }
0xa0: {  	(v2sf) =	vpush v18, $0xF;
	_ =	sdelay $0x1  }
0xa1: {  	(v2sf) =	vpush v61, $0xF;
	v9, _, _ =	vpop (xrf0)  }
0xa2: {  	v9, _, _ =	vpop (xrf0)  }
0xa3: {  	v10, _, _ =	vpop (xrf0);
	(v2sf) =	vpush v9, $0xF  }
0xa4: {  	v9, _, _ =	vpop (xrf0)  }
0xa5: {  	(v2sf) =	vpush v9, $0xF;
	_ =	sdelay $0x4  }
0xa6: {  	s20 =	spop (v2sf)  }
0xa7: {  	s19 =	sxor.u32 $0x80000000, s20  }
0xa8: {  	s21 =	spop (v2sf);
	vm0 =	vlt.s32 v8, s19  }
0xa9: {  	s22 =	sxor.u32 $0x80000000, s21;
	v8 =	vnsel vm0, s19, v8  }
0xaa: {  	s23 =	spop (v2sf);
	vm0 =	vlt.s32 v8, s22  }
0xab: {  	s24 =	sxor.u32 $0x80000000, s23;
	v8 =	vnsel vm0, s22, v8  }
0xac: {  	vm0 =	vlt.s32 v8, s24;
	s25 =	spop (v2sf)  }
0xad: {  	v8 =	vnsel vm0, s24, v8;
	s26 =	sxor.u32 $0x80000000, s25  }
0xae: {  	vm0 =	vlt.s32 v8, s26;
	s28 =	spop (v2sf)  }
0xaf: {  	s21 =	simm.s32 $0x18800;
	v8 =	vnsel vm0, s26, v8;
	s29 =	sxor.u32 $0x80000000, s28  }
0xb0: {  	s20 =	simm.s32 $0x1A800;
	v11 =	vld [tilespmem:s21+$0x0];
	vm0 =	vlt.s32 v8, s29;
	s30 =	spop (v2sf)  }
0xb1: {  	v13 =	vld [tilespmem:s20+$0x0];
	v8 =	vnsel vm0, s29, v8;
	s31 =	sxor.u32 $0x80000000, s30  }
0xb2: {  	vm0 =	vlt.s32 v8, s31  }
0xb3: {  	s19 =	simm.s32 $0x0;
	v10 =	vnsel vm0, s31, v8  }
0xb4: {  	v12 =	vor.u32 s19, v1;
	v8 =	vadd.s32 $0xFFFFFFFF, v10  }
0xb5: {  	s21 =	simm.s32 $0x10;
	s22 =	simm.s32 $0x18810;
	v9 =	vimm.f32 $0.0e+00;
	vm0 =	vlt.s32 v12, v8;
	v12 =	vimm.f32 $0.0e+00  }
.LBB2_9:
0xb6: {  	v14 =	vnsel vm0, $0x0, v11;
	v11 =	vld [tilespmem:s22+$0x0];
	v15 =	vnsel vm0, $0x0, v13;
	s20 =	sadd.s32 $0x10, s20;
	s23 =	smov.u32 s21;
	p0 =	sne.s32 s21, $0x1FF0  }
.Ltmp6:
0xb7: {  	s21 =	sadd.s32 $0x10, s21;
	v13 =	vld [tilespmem:s20+$0x0];
	v9 =	vadd.f32 v14, v9;
	v12 =	vadd.f32 v15, v12;
	(pc) =	sbr.rel @p0 .LBB2_9-.Ltmp6, $3  }
0xb8: {  	_ =	sdelay $0x1  }
0xb9: {  	v14 =	vor.u32 s23, v1  }
0xba: {  	s22 =	sadd.s32 $0x10, s22;
	vm0 =	vlt.s32 v14, v8  }
0xbb: {  	s20 =	simm.s32 $0x0  }
0xbc: {  	v14 =	vld [tilespmem:s20+$0x0];
	_ =	sdelay $0x4  }
0xbd: {  	v15 =	vxor.u32 $0x7FFFFFFF, v14;
	vm1 =	vlt.s32 v14, $0x0  }
0xbe: {  	v15 =	vsel vm1, v15, v14  }
0xbf: {  	v15 =	vshra.s32 v15, $0x13  }
0xc0: {  	v15 =	vsub.s32 $0xFFF, v15  }
0xc1: {  	vm15 =	veq.s32 v15, v8  }
0xc2: {  	v15 =	vsel vm15, $0x3F800000, v2  }
0xc3: {  	(xrf2) =	vadd.scan.msk.f32 $0xffff, v15;
	_ =	sdelay $0x7  }
0xc4: {  	v11 =	vnsel vm0, $0x0, v11;
	v13 =	vnsel vm0, $0x0, v13  }
0xc5: {  	s21 =	simm.s32 $0x10;
	v11 =	vadd.f32 v11, v9;
	v9 =	vadd.f32 v13, v12;
	s20 =	simm.s32 $0x80;
	[tilespmem:s19+$0x0] =	vst.msk vm15, v14  }
.LBB2_11:
0xc6: {  	p0 =	sne.s32 s20, $0x61FC0;
	v12 =	vld [tilespmem:s21+$0x0];
	v13, _, _ =	vpop (xrf2)  }
0xc7: {  	(v2sf) =	vpush v13, $0xF;
	_ =	sdelay $0x3  }
0xc8: {  	v13 =	vxor.u32 $0x7FFFFFFF, v12;
	vm0 =	vlt.s32 v12, $0x0  }
0xc9: {  	v13 =	vsel vm0, v13, v12  }
0xca: {  	v13 =	vshra.s32 v13, $0x13  }
0xcb: {  	v13 =	vsub.s32 $0xFFF, v13  }
0xcc: {  	vm0 =	veq.s32 v13, v8  }
0xcd: {  	v13 =	vsel vm0, $0x3F800000, v2  }
0xce: {  	(xrf2) =	vadd.scan.msk.f32 $0xffff, v13;
	_ =	sdelay $0x4  }
.Ltmp7:
0xcf: {  	s21 =	spop (v2sf);
	(pc) =	sbr.rel @p0 .LBB2_11-.Ltmp7, $3  }
0xd0: {  	s21 =	scvt.f32.s32 s21;
	_ =	sdelay $0x1  }
0xd1: {  	s19 =	sadd.s32 s21, s19  }
0xd2: {  	s21 =	sshra.s32 s20, $0x2;
	s20 =	sadd.s32 $0x40, s20;
	[tilespmem:s19+$0x0] =	vst.msk vm0, v12  }
0xd3: {  	v12 =	vld [tilespmem:s21+$0x0];
	_ =	sdelay $0x4  }
0xd4: {  	v13 =	vxor.u32 $0x7FFFFFFF, v12;
	vm0 =	vlt.s32 v12, $0x0  }
0xd5: {  	v13 =	vsel vm0, v13, v12  }
0xd6: {  	v13 =	vshra.s32 v13, $0x13  }
0xd7: {  	v13 =	vsub.s32 $0xFFF, v13  }
0xd8: {  	vm15 =	veq.s32 v13, v8  }
0xd9: {  	v8 =	vsel vm15, $0x3F800000, v2  }
0xda: {  	(xrf2) =	vadd.scan.msk.f32 $0xffff, v8;
	_ =	sdelay $0x8  }
0xdb: {  	v8, _, _ =	vpop (xrf2)  }
0xdc: {  	(v2sf) =	vpush v8, $0xF;
	v8, _, _ =	vpop (xrf2)  }
0xdd: {  	(v2sf) =	vpush v8, $0xF;
	_ =	sdelay $0xd  }
0xde: {  	(xrf2) =	vadd.scan.msk.f32 $0xffff, v11;
	s20 =	spop (v2sf)  }
0xdf: {  	(xrf2) =	vadd.scan.msk.f32 $0xffff, v9;
	s20 =	scvt.f32.s32 s20;
	s29 =	spop (v2sf)  }
0xe0: {  	s21 =	scvt.f32.s32 s29  }
0xe1: {  	s20 =	sadd.s32 s20, s19  }
0xe2: {  	s21 =	sadd.s32 s21, s20  }
0xe3: {  	s30 =	sadd.s32 $0xF, s21  }
0xe4: {  	s22 =	sand.u32 $0xF, s30  }
0xe5: {  	s31 =	sshra.s32 s30, $0x1F;
	p1 =	slt.s32 s30, $0x1;
	p0 =	sne.s32 s22, $0x0  }
.Ltmp8:
0xe6: {  	s22 =	sshrl.u32 s31, $0x1C;
	p0 =	por !p1, !p0;
	(pc) =	sbr.rel .LBB2_13-.Ltmp8, $4  }
0xe7: {  	s19 =	sadd.s32 s22, s30;
	s22 =	simm.s32 $0x1;
	p0 =	por !p0, !p0  }
0xe8: {  	v13 =	vshll.u32 v10, $0x13;
	v8, _, _ =	vpop (xrf2);
	s19 =	sshra.s32 s19, $0x4;
	s22 =	simm.s32 @!p0 $0x0  }
0xe9: {  	v10 =	vxor.u32 $0x7FFFFFFF, v13;
	v8 =	vadd.f32 $0.0e+00, v8;
	v9, _, _ =	vpop (xrf2);
	s19 =	ssub.s32 s19, s22  }
0xea: {  	v9 =	vadd.f32 $0.0e+00, v9;
	[tilespmem:s20+$0x0] =	vst.msk vm15, v12;
	v12 =	vsub.s32 $0x8007FFFF, v13;
	s20 =	simm.s32 $0x0;
	v11 =	vmov s21;
	s21 =	simm.s32 $0x0;
	p0 =	slt.s32 s19, $0x1  }
.LBB2_14:
0xeb: {  	v15 =	vimm.f32 $0.0e+00  }
.LBB2_24:
0xec: {  	(xrf2) =	vadd.scan.msk.f32 $0xffff, v14  }
0xed: {  	(xrf2) =	vadd.scan.msk.f32 $0xffff, v15;
	_ =	sdelay $0x8  }
0xee: {  	v14, _, _ =	vpop (xrf2)  }
0xef: {  	v15, _, _ =	vpop (xrf2)  }
0xf0: {  	s21 =	sadd.s32 $0x1, s21;
	v14 =	vadd.f32 v14, v8;
	v15 =	vadd.f32 v15, v9  }
0xf1: {  	p1 =	sne.s32 s21, $0x13  }
.Ltmp9:
0xf2: {  	v14 =	vbroadcast v14, $0xF;
	v15 =	vbroadcast v15, $0xF;
	(pc) =	sbr.rel @!p1 .LBB2_25-.Ltmp9, $4  }
0xf3: {  	_ = 	snop  }
0xf4: {  	vm1 =	vlt.f32 v14, v6;
	vm0 =	vle.f32 v15, v7  }
0xf5: {  	vm0 =	vmand vm1, vm0  }
0xf6: {  	v10 =	vsel vm0, v10, v13;
	v12 =	vsel vm0, v13, v12  }
.LBB2_13:
.Ltmp10:
0xf7: {  	(pc) =	sbr.rel @p0 .LBB2_14-.Ltmp10, $4  }
0xf8: {  	_ = 	snop  }
0xf9: {  	v13 =	vsub.s32 v12, v10  }
0xfa: {  	v13 =	vshra.s32 v13, $0x1  }
0xfb: {  	v14 =	vimm.f32 $0.0e+00;
	v13 =	vadd.s32 v10, v13  }
0xfc: {  	v18 =	vld [tilespmem:s20+$0x0];
	p3 =	sne.s32 s19, $0x1  }
.Ltmp11:
0xfd: {  	_ = 	snop;
	(pc) =	sbr.rel @!p3 .LBB2_16-.Ltmp11, $3  }
0xfe: {  	_ =	sdelay $0x1  }
0xff: {  	s22 =	sadd.s32 $0xFFFFFFFF, s19  }
0x100: {  	s23 =	simm.s32 $0x10;
	p1 =	por $0x0, $0x0;
	p2 =	por $0x0, $0x0;
	v16 =	vsub.f32 v18, v5  }
0x101: {  	_ = 	snop  }
0x102: {  	v16 =	vmul.f32 $1.442695020e+00, v16;
	_ =	sdelay $0x1  }
0x103: {  	(erf) = vpow2.f32 v16;
	_ =	sdelay $0x2  }
0x104: {  	v15 =	vld [tilespmem:s23+$0x0];
	p3 =	sne.s32 s22, $0x1  }
.Ltmp12:
0x105: {  	_ = 	snop;
	(pc) =	sbr.rel @!p3 .LBB2_18-.Ltmp12, $2  }
0x106: {  	_ =	sdelay $0x2  }
0x107: {  	s22 =	sadd.s32 $0xFFFFFFFF, s22;
	s23 =	simm.s32 $0x20;
	p1 =	por $0x1, $0x1;
	v16 =	vsub.f32 v15, v5  }
0x108: {  	_ = 	snop  }
0x109: {  	v20 =	vld [tilespmem:s23+$0x0];
	p3 =	sne.s32 s22, $0x1;
	v16 =	vmul.f32 $1.442695020e+00, v16  }
.Ltmp13:
0x10a: {  	_ = 	snop;
	(pc) =	sbr.rel @!p3 .LBB2_20-.Ltmp13, $4  }
0x10b: {  	(erf) = vpow2.f32 v16  }
0x10c: {  	vm0 =	vlt.s32 v18, $0x0;
	v17 =	vor.u32 s20, v1;
	v16 =	vxor.u32 $0x7FFFFFFF, v18  }
0x10d: {  	s23 =	sadd.s32 $0xFFFFFFFF, s22;
	v19 =	vimm.f32 $0.0e+00;
	v18 =	vsel vm0, v16, v18;
	vm0 =	vlt.s32 v17, v11  }
0x10e: {  	s24 =	simm.s32 $0x30;
	p2 =	por $0x1, $0x1;
	s22 =	simm.s32 $0x0;
	v17 =	vimm.f32 $0.0e+00;
	v16 =	vsub.f32 v20, v5;
	vm1 =	vgt.s32 v18, v13  }
.LBB2_21:
0x10f: {  	v18 =	vld [tilespmem:s24+$0x0];
	p3 =	sne.s32 s23, $0x1;
	s23 =	sadd.s32 $0xFFFFFFFF, s23;
	vm0 =	vmand vm0, vm1;
	v21 =	vpop (erf)  }
.Ltmp14:
0x110: {  	v16 =	vmul.f32 $1.442695020e+00, v16;
	v22 =	vsel vm0, $0x3F800000, v2;
	v21 =	vnsel vm0, $0x0, v21;
	(pc) =	sbr.rel @p3 .LBB2_21-.Ltmp14, $4  }
0x111: {  	v17 =	vadd.f32 v22, v17;
	v19 =	vadd.f32 v21, v19  }
0x112: {  	s22 =	sadd.s32 $0x10, s22;
	vm0 =	vlt.s32 v15, $0x0;
	(erf) = vpow2.f32 v16;
	v16 =	vxor.u32 $0x7FFFFFFF, v15  }
0x113: {  	v21 =	vor.u32 s22, v1;
	v22 =	vsel vm0, v16, v15;
	v15 =	vmov v20  }
0x114: {  	s24 =	sadd.s32 $0x10, s24;
	vm0 =	vlt.s32 v21, v11;
	v16 =	vsub.f32 v18, v5;
	vm1 =	vgt.s32 v22, v13;
	v20 =	vmovc v18  }
0x115: {  	v18 =	vmov v15;
	v15 =	vmov v20  }
.LBB2_23:
0x116: {  	v16 =	vmul.f32 $1.442695020e+00, v16  }
0x117: {  	vm0 =	vmand @p2 vm0, vm1;
	s22 =	sadd.s32 @p2 $0x10, s22;
	s23 =	simm.s32 $0x0  }
0x118: {  	v20 =	vpop @p2 (erf);
	vm1 =	vlt.s32 @p1 v18, $0x0;
	s23 =	smov.u32 @p2 s22;
	(erf) = vpow2.f32 v16;
	v16 =	vxor.u32 @p1 $0x7FFFFFFF, v18  }
0x119: {  	v20 =	vnsel @p2 vm0, $0x0, v20;
	v16 =	vsel @p1 vm1, v16, v18;
	v18 =	vor.u32 @p1 s23, v1  }
0x11a: {  	v21 =	vsel @p2 vm0, $0x3F800000, v2;
	vm0 =	vlt.s32 @p1 v18, v11;
	vm1 =	vgt.s32 @p1 v16, v13  }
0x11b: {  	v17 =	vadd.f32 @p2 v21, v17;
	vm0 =	vmmov @p1 vm0;
	vm1 =	vmmov @p1 vm1  }
0x11c: {  	v62 =	vxor.u32 $0x7FFFFFFF, v15;
	vm13 =	vlt.s32 v15, $0x0;
	vm0 =	vmand @p1 vm0, vm1  }
0x11d: {  	s22 =	sadd.s32 @p1 $0x10, s23;
	s23 =	simm.s32 $0x0;
	v16 =	vadd.f32 @p2 v20, v19;
	v17 =	vpsel p2, v17, v14;
	v19 =	vsel @p1 vm0, $0x3F800000, v2  }
0x11e: {  	v15 =	vsel vm13, v62, v15;
	s23 =	smov.u32 @p1 s22;
	v18 =	vpop @p1 (erf);
	v17 =	vadd.f32 @p1 v19, v17  }
0x11f: {  	v63 =	vor.u32 s23, v1;
	v16 =	vpsel p2, v16, v14;
	v18 =	vnsel @p1 vm0, $0x0, v18  }
.Ltmp15:
0x120: {  	vm15 =	vgt.s32 v15, v13;
	vm14 =	vlt.s32 v63, v11;
	v16 =	vadd.f32 @p1 v18, v16;
	(pc) =	sbr.rel .LBB2_24-.Ltmp15, $4  }
0x121: {  	vm0 =	vmand vm14, vm15  }
0x122: {  	v15 =	vpsel p1, v17, v14;
	v16 =	vpsel p1, v16, v14;
	v14 =	vsel vm0, $0x3F800000, v2;
	v17 =	vpop (erf)  }
0x123: {  	v14 =	vadd.f32 v14, v15;
	v17 =	vnsel vm0, $0x0, v17  }
0x124: {  	v15 =	vadd.f32 v17, v16  }
.LBB2_16:
.Ltmp16:
0x125: {  	(pc) =	sbr.rel .LBB2_23-.Ltmp16, $2  }
0x126: {  	_ =	sdelay $0x2  }
0x127: {  	v17 =	vimm.f32 $0.0e+00;
	v19 =	vimm.f32 $0.0e+00;
	s22 =	simm.s32 $0x0;
	v15 =	vmov v18  }
.LBB2_18:
.Ltmp17:
0x128: {  	(pc) =	sbr.rel .LBB2_23-.Ltmp17, $2  }
0x129: {  	_ =	sdelay $0x2  }
0x12a: {  	v17 =	vimm.f32 $0.0e+00;
	v19 =	vimm.f32 $0.0e+00;
	s22 =	simm.s32 $0x0  }
.LBB2_20:
.Ltmp18:
0x12b: {  	(pc) =	sbr.rel .LBB2_23-.Ltmp18, $2  }
0x12c: {  	_ =	sdelay $0x2  }
0x12d: {  	v18 =	vmovc v15;
	v17 =	vimm.f32 $0.0e+00;
	v19 =	vimm.f32 $0.0e+00;
	s22 =	simm.s32 $0x0;
	v15 =	vmov v20  }
.LBB2_26:
0x12e: {  	_ =	sfence.sel $0x180000  }
0x12f: {  	[bflag:$0x0] =	sbarrier.arrive $0xFFFF  }
0x130: {  	p0 =	sne.s32 s1, $0x0;
	_ =	strace $0x90000047  }
0x131: {  	s0 =	sadd.s32 @!p0 $0x100000, s0;
	[bflag:$0x2] =	sbarrier.arrive $0xFFFF  }
0x132: {  	[sflag:s0] =	ssyncadd.tile.s32 @!p0 $0x1;
	_ =	shalt  }
.Lfunc_end2:
_tile_overlayer_lowered:
.L_overlay_start_2:
0x133: {  	(tag) =	ssettag $0x2  }
0x134: {  	s0 =	rddreg [dreg:$0x0];
	s2 =	stileid.u32  }
0x135: {  	s1 =	rddreg [dreg:$0x1];
	p0 =	sne.s32 s2, $0x0  }
0x136: {  	s3 =	rddreg [dreg:$0x2];
	[bflag:$0x3] =	sbarrier.arrive $0xFFFF;
	s2 =	simm.s32 @!p0 $0x1C01  }
0x137: {  	[timem:s3], [sflag:s2] =	dma.local @!p0 [hbm:s0], s1  }
0x138: {  	s0 =	simm.s32 @!p0 $0x1  }
0x139: {  	_ =	swait.ge @!p0 [sflag:s0], s1  }
0x13a: {  	s1 =	ssub.s32 @!p0 $0x0, s1;
	[sflag:s0] =	ssyncset.done @!p0 $0x0  }
0x13b: {  	[sflag:s0] =	ssyncadd.s32 @!p0 s1  }
0x13c: {  	[bflag:$0x3] =	sbarrier.arrive $0xFFFF  }
0x13d: {  	_ =	shalt  }

</sc_bundles>
